<compile_context>
chip_gen: v7x
topology: tpu7x:2x2x1
jax: 0.10.2.dev20260603
libtpu: 0.0.44.dev20260713+nightly
codegen_flags: <defaults>
</compile_context>

<pallas_src>
import functools

import jax
import jax.numpy as jnp
from jax import lax
from jax.experimental import pallas as pl
from jax.experimental.pallas import tpu as pltpu
from jax.experimental.pallas import tpu_sc as plsc

N = 10000
E = 160000
IN_C = 256
HID = 512
NCLS = 128

NSUB = 16
NCORE = 2
LANE = 128
K = 128
N_PAD = 10240
ROWS_SUB = N_PAD // NSUB
DRAIN_PIECES = ROWS_SUB // 128
CHUNKS = 80
HCH = CHUNKS // 2
EPS_SUB = CHUNKS * K
E_PAD = EPS_SUB * NSUB
CH_TOT = E_PAD // K


def _make_segsum(fc):
    mesh = plsc.VectorSubcoreMesh(core_axis_name="c", subcore_axis_name="s")

    @functools.partial(
        pl.kernel,
        out_type=jax.ShapeDtypeStruct((fc * N_PAD, LANE), jnp.float32),
        mesh=mesh,
        scratch_types=[
            pltpu.VMEM((HCH, K), jnp.int32),
            pltpu.VMEM((HCH, K), jnp.int32),
            pltpu.VMEM((K, LANE), jnp.float32),
            pltpu.VMEM((K, LANE), jnp.float32),
            pltpu.VMEM_SHARED((N_PAD, LANE), jnp.float32),
            pltpu.SemaphoreType.DMA,
            pltpu.SemaphoreType.DMA,
        ],
    )
    def segsum(h_hbm, zero_hbm, src_hbm, dst_hbm, out_hbm,
               sidx, didx, rows0, rows1, acc, sem0, sem1):
        c = lax.axis_index("c")
        s = lax.axis_index("s")

        def do_pass(p, carry):
            f = p * NCORE + c
            foff = f * N_PAD

            pltpu.sync_copy(zero_hbm, acc.at[pl.ds(s * ROWS_SUB, ROWS_SUB)])
            plsc.subcore_barrier()

            def half(hf, carry2):
                sbase = f * CH_TOT + s * CHUNKS + hf * HCH
                dbase = s * CHUNKS + hf * HCH
                pltpu.sync_copy(src_hbm.at[pl.ds(sbase, HCH)], sidx)
                pltpu.sync_copy(dst_hbm.at[pl.ds(dbase, HCH)], didx)

                pltpu.async_copy(h_hbm.at[sidx.at[0]], rows0, sem0)

                def pair(g, carry3):
                    i0 = 2 * g
                    i1 = i0 + 1
                    pltpu.async_copy(h_hbm.at[sidx.at[i1]], rows1, sem1)
                    pltpu.make_async_copy(h_hbm.at[sidx.at[i0]], rows0, sem0).wait()
                    pltpu.sync_copy(rows0, acc.at[didx.at[i0]], add=True)

                    @pl.when(i0 + 2 < HCH)
                    def _():
                        pltpu.async_copy(h_hbm.at[sidx.at[i0 + 2]], rows0, sem0)

                    pltpu.make_async_copy(h_hbm.at[sidx.at[i1]], rows1, sem1).wait()
                    pltpu.sync_copy(rows1, acc.at[didx.at[i1]], add=True)
                    return carry3

                lax.fori_loop(0, HCH // 2, pair, 0)
                return carry2

            lax.fori_loop(0, 2, half, 0)
            plsc.subcore_barrier()

            r0 = s * ROWS_SUB
            pltpu.sync_copy(acc.at[pl.ds(r0, ROWS_SUB)],
                            out_hbm.at[pl.ds(foff + r0, ROWS_SUB)])
            plsc.subcore_barrier()
            return carry

        lax.fori_loop(0, fc // NCORE, do_pass, 0)

    return segsum


_segsum2 = _make_segsum(2)
_segsum4 = _make_segsum(4)


def _make_mlp(fc_in, hid, fc_out, relu_out, bn=512):
    out_c = fc_out * LANE

    def body(scale_ref, agg_ref, h_ref, wa_ref, ba_ref, wb_ref, bb_ref, out_ref):
        scale = scale_ref[0]
        acc = jnp.zeros((bn, hid), jnp.float32)
        for f in range(fc_in):
            t = agg_ref[f] + scale * h_ref[f]
            acc = acc + jnp.dot(t, wa_ref[f], preferred_element_type=jnp.float32)
        h1 = jnp.maximum(acc + ba_ref[...], 0.0)
        h2 = jnp.dot(h1, wb_ref[...], preferred_element_type=jnp.float32) + bb_ref[...]
        if relu_out:
            h2 = jnp.maximum(h2, 0.0)
        for f2 in range(fc_out):
            out_ref[f2] = h2[:, f2 * LANE:(f2 + 1) * LANE]

    return pl.pallas_call(
        body,
        grid=(N_PAD // bn,),
        in_specs=[
            pl.BlockSpec(memory_space=pltpu.SMEM),
            pl.BlockSpec((fc_in, bn, LANE), lambda n: (0, n, 0)),
            pl.BlockSpec((fc_in, bn, LANE), lambda n: (0, n, 0)),
            pl.BlockSpec((fc_in, LANE, hid), lambda n: (0, 0, 0)),
            pl.BlockSpec((1, hid), lambda n: (0, 0)),
            pl.BlockSpec((hid, out_c), lambda n: (0, 0)),
            pl.BlockSpec((1, out_c), lambda n: (0, 0)),
        ],
        out_specs=pl.BlockSpec((fc_out, bn, LANE), lambda n: (0, n, 0)),
        out_shape=jax.ShapeDtypeStruct((fc_out, N_PAD, LANE), jnp.float32),
    )


_mlp0 = _make_mlp(IN_C // LANE, HID, HID // LANE, True)
_mlp1 = _make_mlp(HID // LANE, HID, HID // LANE, True)
_mlp2 = _make_mlp(HID // LANE, NCLS, NCLS // LANE, False)


def kernel(x, edge_index, W0a, b0a, W0b, b0b, W1a, b1a, W1b, b1b, W2a, b2a, W2b, b2b, eps):
    src = edge_index[0]
    dst = edge_index[1]
    pad = E_PAD - E
    srcp = jnp.concatenate([src, jnp.zeros((pad,), jnp.int32)]).reshape(CH_TOT, K)
    dstp = jnp.concatenate([dst, jnp.full((pad,), N_PAD - 1, jnp.int32)]).reshape(CH_TOT, K)
    offs2 = (jnp.arange(2, dtype=jnp.int32) * N_PAD).reshape(2, 1, 1)
    offs4 = (jnp.arange(4, dtype=jnp.int32) * N_PAD).reshape(4, 1, 1)
    srcp2 = (srcp[None] + offs2).reshape(2 * CH_TOT, K)
    srcp4 = (srcp[None] + offs4).reshape(4 * CH_TOT, K)
    zeros_rs = jnp.zeros((ROWS_SUB, LANE), jnp.float32)

    fc0 = IN_C // LANE
    xp = jnp.pad(x, ((0, N_PAD - N), (0, 0)))
    x_flat = xp.reshape(N_PAD, fc0, LANE).transpose(1, 0, 2).reshape(fc0 * N_PAD, LANE)

    scales = (1.0 + eps).reshape(3, 1)

    agg0 = _segsum2(x_flat, zeros_rs, srcp2, dstp)
    h1 = _mlp0(scales[0], agg0.reshape(fc0, N_PAD, LANE),
               x_flat.reshape(fc0, N_PAD, LANE),
               W0a.reshape(fc0, LANE, HID), b0a.reshape(1, HID),
               W0b, b0b.reshape(1, HID))

    fc1 = HID // LANE
    h1f = h1.reshape(fc1 * N_PAD, LANE)
    agg1 = _segsum4(h1f, zeros_rs, srcp4, dstp)
    h2 = _mlp1(scales[1], agg1.reshape(fc1, N_PAD, LANE), h1,
               W1a.reshape(fc1, LANE, HID), b1a.reshape(1, HID),
               W1b, b1b.reshape(1, HID))

    h2f = h2.reshape(fc1 * N_PAD, LANE)
    agg2 = _segsum4(h2f, zeros_rs, srcp4, dstp)
    out = _mlp2(scales[2], agg2.reshape(fc1, N_PAD, LANE), h2,
                W2a.reshape(fc1, LANE, NCLS), b2a.reshape(1, NCLS),
                W2b, b2b.reshape(1, NCLS))

    return out.reshape(N_PAD, NCLS)[:N]

# --- scband reference (transcript-rebuilt; emitter-appended) ---
"""Pipeline reference for scband-gin-24283745091810 (READ-ONLY COPY).

The authoritative reference and input builder live on the scoring server;
editing this copy changes nothing except your own understanding.
"""

import jax, jax.numpy as jnp
import numpy as np

N = 10000
E = 160000
IN_C = 256
HID = 512
NCLS = 128

# PyG GIN (basic_gnn) with 3 layers:
#  layer0: GINConv(MLP([IN_C, HID, HID]))
#  layer1: GINConv(MLP([HID, HID, HID]))
#  layer2: GINConv(MLP([HID, NCLS, NCLS]))  (last layer maps to out_channels)
# norm=None in BasicGNN default, so MLP = Lin -> ReLU -> Lin (plain_last).
# Between layers: ReLU (act), dropout inactive in eval. No act after last layer.
# GINConv: out = mlp(segment_sum(x[src] at dst) + (1+eps)*x)

def setup_inputs(seed: int = 0) -> dict:
    key = jax.random.key(seed)
    ks = jax.random.split(key, 16)
    s = 0.05
    x = jax.random.normal(ks[0], (N, IN_C), dtype=jnp.float32)
    edge_index = jax.random.randint(ks[1], (2, E), 0, N, dtype=jnp.int32)
    params = {
        'W0a': jax.random.normal(ks[2], (IN_C, HID), dtype=jnp.float32) * s,
        'b0a': jnp.zeros((HID,), dtype=jnp.float32),
        'W0b': jax.random.normal(ks[3], (HID, HID), dtype=jnp.float32) * s,
        'b0b': jnp.zeros((HID,), dtype=jnp.float32),
        'W1a': jax.random.normal(ks[4], (HID, HID), dtype=jnp.float32) * s,
        'b1a': jnp.zeros((HID,), dtype=jnp.float32),
        'W1b': jax.random.normal(ks[5], (HID, HID), dtype=jnp.float32) * s,
        'b1b': jnp.zeros((HID,), dtype=jnp.float32),
        'W2a': jax.random.normal(ks[6], (HID, NCLS), dtype=jnp.float32) * s,
        'b2a': jnp.zeros((NCLS,), dtype=jnp.float32),
        'W2b': jax.random.normal(ks[7], (NCLS, NCLS), dtype=jnp.float32) * s,
        'b2b': jnp.zeros((NCLS,), dtype=jnp.float32),
        'eps': jnp.zeros((3,), dtype=jnp.float32),
    }
    return {'x': x, 'edge_index': edge_index, **params}


def _gin_conv(x, src, dst, eps, Wa, ba, Wb, bb):
    agg = jax.ops.segment_sum(x[src], dst, num_segments=N)
    h = agg + (1.0 + eps) * x
    h = jnp.maximum(h @ Wa + ba, 0.0)
    h = h @ Wb + bb
    return h


def reference(x, edge_index, W0a, b0a, W0b, b0b, W1a, b1a, W1b, b1b, W2a, b2a, W2b, b2b, eps):
    src = edge_index[0]
    dst = edge_index[1]
    h = _gin_conv(x, src, dst, eps[0], W0a, b0a, W0b, b0b)
    h = jnp.maximum(h, 0.0)
    h = _gin_conv(h, src, dst, eps[1], W1a, b1a, W1b, b1b)
    h = jnp.maximum(h, 0.0)
    h = _gin_conv(h, src, dst, eps[2], W2a, b2a, W2b, b2b)
    return h


if False:  # reference __main__ guard neutralized (emitter)
    out = reference(**setup_inputs())
    print(out.shape, out.dtype)

if __name__ == "__main__":
    import jax
    _d = setup_inputs()
    print(jax.jit(kernel)(*tuple(_d.values())))

</pallas_src>

<mosaic_0001>
#map = affine_map<(d0, d1) -> (0, 0)>
module attributes {stable_mosaic.version = 14 : i64} {
  func.func @segsum(%arg0: i32, %arg1: i32, %arg2: memref<20480x128xf32, #tpu.memory_space<hbm>>, %arg3: memref<640x128xf32, #tpu.memory_space<hbm>>, %arg4: memref<2560x128xi32, #tpu.memory_space<hbm>>, %arg5: memref<1280x128xi32, #tpu.memory_space<hbm>>, %arg6: memref<20480x128xf32, #tpu.memory_space<hbm>>, %arg7: memref<40x128xi32, #tpu.memory_space<vmem>>, %arg8: memref<40x128xi32, #tpu.memory_space<vmem>>, %arg9: memref<128x128xf32, #tpu.memory_space<vmem>>, %arg10: memref<128x128xf32, #tpu.memory_space<vmem>>, %arg11: memref<10240x128xf32, #tpu.memory_space<vmem_shared>>, %arg12: memref<!tpu.dma_semaphore, #tpu.memory_space<semaphore_mem>>, %arg13: memref<!tpu.dma_semaphore, #tpu.memory_space<semaphore_mem>>) attributes {dimension_semantics = [#tpu.dimension_semantics<core_parallel>, #tpu.dimension_semantics<subcore_parallel>], iteration_bounds = array<i64: 2, 16>, scalar_prefetch = 0 : i64, scratch_operands = 7 : i64, tpu.core_type = #tpu.core_type<sc_vector_subcore>, window_params = [{transform_indices = #map}, {transform_indices = #map}, {transform_indices = #map}, {transform_indices = #map}, {transform_indices = #map}]} {
    %scan3A = arith.constant 0 : i32
    %scan3A_0 = arith.constant 0 : i32
    %mul3A = arith.constant 2 : i32
    %mul3A_1 = arith.muli %scan3A_0, %mul3A : i32
    %add3A = arith.addi %mul3A_1, %arg0 : i32
    %mul3A_2 = arith.constant 10240 : i32
    %mul3A_3 = arith.muli %add3A, %mul3A_2 : i32
    %mul3A_4 = arith.constant 640 : i32
    %mul3A_5 = arith.muli %arg1, %mul3A_4 : i32
    "tpu.region"() ({
      %run_scoped3A = tpu.sem_alloc : memref<!tpu.dma_semaphore, #tpu.memory_space<semaphore_mem>>
      %dma_start3A = arith.constant 0 : i32
      %dma_start3A_18 = tpu.memref_slice %arg11[%mul3A_5, %dma_start3A] : memref<10240x128xf32, #tpu.memory_space<vmem_shared>> -> memref<640x128xf32, #tpu.memory_space<vmem_shared>>
      tpu.enqueue_dma source(%arg3 : memref<640x128xf32, #tpu.memory_space<hbm>>) target(%dma_start3A_18 : memref<640x128xf32, #tpu.memory_space<vmem_shared>>) target_semaphore(%run_scoped3A : memref<!tpu.dma_semaphore, #tpu.memory_space<semaphore_mem>>)
      %dma_wait3A = arith.constant 0 : i32
      %dma_wait3A_19 = tpu.memref_slice %arg11[%mul3A_5, %dma_wait3A] : memref<10240x128xf32, #tpu.memory_space<vmem_shared>> -> memref<640x128xf32, #tpu.memory_space<vmem_shared>>
      tpu.wait_dma2 semaphore(%run_scoped3A : memref<!tpu.dma_semaphore, #tpu.memory_space<semaphore_mem>>) src(%arg3 : memref<640x128xf32, #tpu.memory_space<hbm>>) dst(%dma_wait3A_19 : memref<640x128xf32, #tpu.memory_space<vmem_shared>>)
      tpu.yield
    }) : () -> ()
    %barrier3A = arith.constant 0 : index
    tpu.barrier barrier_id(%barrier3A)
    %scan3A_6 = arith.constant 0 : i32
    %scan3A_7 = arith.constant 0 : i32
    %scan3A_8 = arith.constant 2 : i32
    %scan3A_9 = arith.addi %scan3A_7, %scan3A_8 : i32
    %scan3A_10 = arith.constant 1 : i32
    scf.for %scan3A_18 = %scan3A_7 to %scan3A_9 step %scan3A_10  : i32 {
      %mul3A_19 = arith.constant 1280 : i32
      %mul3A_20 = arith.muli %add3A, %mul3A_19 : i32
      %mul3A_21 = arith.constant 80 : i32
      %mul3A_22 = arith.muli %arg1, %mul3A_21 : i32
      %add3A_23 = arith.addi %mul3A_20, %mul3A_22 : i32
      %mul3A_24 = arith.constant 40 : i32
      %mul3A_25 = arith.muli %scan3A_18, %mul3A_24 : i32
      %add3A_26 = arith.addi %add3A_23, %mul3A_25 : i32
      %mul3A_27 = arith.constant 80 : i32
      %mul3A_28 = arith.muli %arg1, %mul3A_27 : i32
      %mul3A_29 = arith.constant 40 : i32
      %mul3A_30 = arith.muli %scan3A_18, %mul3A_29 : i32
      %add3A_31 = arith.addi %mul3A_28, %mul3A_30 : i32
      "tpu.region"() ({
        %run_scoped3A = tpu.sem_alloc : memref<!tpu.dma_semaphore, #tpu.memory_space<semaphore_mem>>
        %dma_start3A_44 = arith.constant 0 : i32
        %dma_start3A_45 = tpu.memref_slice %arg4[%add3A_26, %dma_start3A_44] : memref<2560x128xi32, #tpu.memory_space<hbm>> -> memref<40x128xi32, #tpu.memory_space<hbm>>
        %dma_start3A_46 = arith.constant 0 : i32
        %dma_start3A_47 = tpu.memref_slice %arg4[%add3A_26, %dma_start3A_46] : memref<2560x128xi32, #tpu.memory_space<hbm>> -> memref<40x128xi32, #tpu.memory_space<hbm>>
        tpu.enqueue_dma source(%dma_start3A_47 : memref<40x128xi32, #tpu.memory_space<hbm>>) target(%arg7 : memref<40x128xi32, #tpu.memory_space<vmem>>) target_semaphore(%run_scoped3A : memref<!tpu.dma_semaphore, #tpu.memory_space<semaphore_mem>>)
        %dma_wait3A = arith.constant 0 : i32
        %dma_wait3A_48 = tpu.memref_slice %arg4[%add3A_26, %dma_wait3A] : memref<2560x128xi32, #tpu.memory_space<hbm>> -> memref<40x128xi32, #tpu.memory_space<hbm>>
        %dma_wait3A_49 = arith.constant 0 : i32
        %dma_wait3A_50 = tpu.memref_slice %arg4[%add3A_26, %dma_wait3A_49] : memref<2560x128xi32, #tpu.memory_space<hbm>> -> memref<40x128xi32, #tpu.memory_space<hbm>>
        tpu.wait_dma2 semaphore(%run_scoped3A : memref<!tpu.dma_semaphore, #tpu.memory_space<semaphore_mem>>) src(%dma_wait3A_50 : memref<40x128xi32, #tpu.memory_space<hbm>>) dst(%arg7 : memref<40x128xi32, #tpu.memory_space<vmem>>)
        tpu.yield
      }) : () -> ()
      "tpu.region"() ({
        %run_scoped3A = tpu.sem_alloc : memref<!tpu.dma_semaphore, #tpu.memory_space<semaphore_mem>>
        %dma_start3A_44 = arith.constant 0 : i32
        %dma_start3A_45 = tpu.memref_slice %arg5[%add3A_31, %dma_start3A_44] : memref<1280x128xi32, #tpu.memory_space<hbm>> -> memref<40x128xi32, #tpu.memory_space<hbm>>
        %dma_start3A_46 = arith.constant 0 : i32
        %dma_start3A_47 = tpu.memref_slice %arg5[%add3A_31, %dma_start3A_46] : memref<1280x128xi32, #tpu.memory_space<hbm>> -> memref<40x128xi32, #tpu.memory_space<hbm>>
        tpu.enqueue_dma source(%dma_start3A_47 : memref<40x128xi32, #tpu.memory_space<hbm>>) target(%arg8 : memref<40x128xi32, #tpu.memory_space<vmem>>) target_semaphore(%run_scoped3A : memref<!tpu.dma_semaphore, #tpu.memory_space<semaphore_mem>>)
        %dma_wait3A = arith.constant 0 : i32
        %dma_wait3A_48 = tpu.memref_slice %arg5[%add3A_31, %dma_wait3A] : memref<1280x128xi32, #tpu.memory_space<hbm>> -> memref<40x128xi32, #tpu.memory_space<hbm>>
        %dma_wait3A_49 = arith.constant 0 : i32
        %dma_wait3A_50 = tpu.memref_slice %arg5[%add3A_31, %dma_wait3A_49] : memref<1280x128xi32, #tpu.memory_space<hbm>> -> memref<40x128xi32, #tpu.memory_space<hbm>>
        tpu.wait_dma2 semaphore(%run_scoped3A : memref<!tpu.dma_semaphore, #tpu.memory_space<semaphore_mem>>) src(%dma_wait3A_50 : memref<40x128xi32, #tpu.memory_space<hbm>>) dst(%arg8 : memref<40x128xi32, #tpu.memory_space<vmem>>)
        tpu.yield
      }) : () -> ()
      %dma_start3A = arith.constant 0 : i32
      %dma_start3A_32 = arith.constant 0 : i32
      %dma_start3A_33 = tpu.memref_slice %arg7[%dma_start3A, %dma_start3A_32] : memref<40x128xi32, #tpu.memory_space<vmem>> -> memref<1x128xi32, #tpu.memory_space<vmem>>
      %dma_start3A_34 = tpu.memref_squeeze %dma_start3A_33 : memref<1x128xi32, #tpu.memory_space<vmem>> -> memref<128xi32, #tpu.memory_space<vmem>>
      %dma_start3A_35 = arith.constant 0 : i32
      %dma_start3A_36 = arith.constant 0 : i32
      %dma_start3A_37 = tpu.memref_slice %arg2[%dma_start3A_35, %dma_start3A_36] : memref<20480x128xf32, #tpu.memory_space<hbm>> -> memref<20480x128xf32, #tpu.memory_space<hbm>>
      tpu.enqueue_indirect_dma source(%dma_start3A_37 : memref<20480x128xf32, #tpu.memory_space<hbm>>) target(%arg9 : memref<128x128xf32, #tpu.memory_space<vmem>>) offsets(%dma_start3A_34 : memref<128xi32, #tpu.memory_space<vmem>>) semaphore(%arg12 : memref<!tpu.dma_semaphore, #tpu.memory_space<semaphore_mem>>)
      %scan3A_38 = arith.constant 0 : i32
      %scan3A_39 = arith.constant 0 : i32
      %scan3A_40 = arith.constant 20 : i32
      %scan3A_41 = arith.addi %scan3A_39, %scan3A_40 : i32
      %scan3A_42 = arith.constant 1 : i32
      scf.for %scan3A_44 = %scan3A_39 to %scan3A_41 step %scan3A_42  : i32 {
        %mul3A_45 = arith.constant 2 : i32
        %mul3A_46 = arith.muli %mul3A_45, %scan3A_44 : i32
        %add3A_47 = arith.constant 1 : i32
        %add3A_48 = arith.addi %mul3A_46, %add3A_47 : i32
        %dma_start3A_49 = arith.constant 0 : i32
        %dma_start3A_50 = tpu.memref_slice %arg7[%add3A_48, %dma_start3A_49] : memref<40x128xi32, #tpu.memory_space<vmem>> -> memref<1x128xi32, #tpu.memory_space<vmem>>
        %dma_start3A_51 = tpu.memref_squeeze %dma_start3A_50 : memref<1x128xi32, #tpu.memory_space<vmem>> -> memref<128xi32, #tpu.memory_space<vmem>>
        %dma_start3A_52 = arith.constant 0 : i32
        %dma_start3A_53 = arith.constant 0 : i32
        %dma_start3A_54 = tpu.memref_slice %arg2[%dma_start3A_52, %dma_start3A_53] : memref<20480x128xf32, #tpu.memory_space<hbm>> -> memref<20480x128xf32, #tpu.memory_space<hbm>>
        tpu.enqueue_indirect_dma source(%dma_start3A_54 : memref<20480x128xf32, #tpu.memory_space<hbm>>) target(%arg10 : memref<128x128xf32, #tpu.memory_space<vmem>>) offsets(%dma_start3A_51 : memref<128xi32, #tpu.memory_space<vmem>>) semaphore(%arg13 : memref<!tpu.dma_semaphore, #tpu.memory_space<semaphore_mem>>)
        %dma_wait3A = arith.constant 0 : i32
        %dma_wait3A_55 = tpu.memref_slice %arg7[%mul3A_46, %dma_wait3A] : memref<40x128xi32, #tpu.memory_space<vmem>> -> memref<1x128xi32, #tpu.memory_space<vmem>>
        %dma_wait3A_56 = tpu.memref_squeeze %dma_wait3A_55 : memref<1x128xi32, #tpu.memory_space<vmem>> -> memref<128xi32, #tpu.memory_space<vmem>>
        %dma_wait3A_57 = arith.constant 0 : i32
        %dma_wait3A_58 = arith.constant 0 : i32
        %dma_wait3A_59 = tpu.memref_slice %arg2[%dma_wait3A_57, %dma_wait3A_58] : memref<20480x128xf32, #tpu.memory_space<hbm>> -> memref<20480x128xf32, #tpu.memory_space<hbm>>
        tpu.wait_indirect_dma semaphore(%arg12 : memref<!tpu.dma_semaphore, #tpu.memory_space<semaphore_mem>>) src(%dma_wait3A_59 : memref<20480x128xf32, #tpu.memory_space<hbm>>) dst(%arg9 : memref<128x128xf32, #tpu.memory_space<vmem>>)
        "tpu.region"() ({
          %run_scoped3A = tpu.sem_alloc : memref<!tpu.dma_semaphore, #tpu.memory_space<semaphore_mem>>
          %dma_start3A_70 = arith.constant 0 : i32
          %dma_start3A_71 = tpu.memref_slice %arg8[%mul3A_46, %dma_start3A_70] : memref<40x128xi32, #tpu.memory_space<vmem>> -> memref<1x128xi32, #tpu.memory_space<vmem>>
          %dma_start3A_72 = tpu.memref_squeeze %dma_start3A_71 : memref<1x128xi32, #tpu.memory_space<vmem>> -> memref<128xi32, #tpu.memory_space<vmem>>
          %dma_start3A_73 = arith.constant 0 : i32
          %dma_start3A_74 = arith.constant 0 : i32
          %dma_start3A_75 = tpu.memref_slice %arg11[%dma_start3A_73, %dma_start3A_74] : memref<10240x128xf32, #tpu.memory_space<vmem_shared>> -> memref<10240x128xf32, #tpu.memory_space<vmem_shared>>
          tpu.enqueue_indirect_dma source(%arg9 : memref<128x128xf32, #tpu.memory_space<vmem>>) target(%dma_start3A_75 : memref<10240x128xf32, #tpu.memory_space<vmem_shared>>) offsets(%dma_start3A_72 : memref<128xi32, #tpu.memory_space<vmem>>) semaphore(%run_scoped3A : memref<!tpu.dma_semaphore, #tpu.memory_space<semaphore_mem>>) {add = true}
          %dma_wait3A_76 = arith.constant 0 : i32
          %dma_wait3A_77 = tpu.memref_slice %arg8[%mul3A_46, %dma_wait3A_76] : memref<40x128xi32, #tpu.memory_space<vmem>> -> memref<1x128xi32, #tpu.memory_space<vmem>>
          %dma_wait3A_78 = tpu.memref_squeeze %dma_wait3A_77 : memref<1x128xi32, #tpu.memory_space<vmem>> -> memref<128xi32, #tpu.memory_space<vmem>>
          %dma_wait3A_79 = arith.constant 0 : i32
          %dma_wait3A_80 = arith.constant 0 : i32
          %dma_wait3A_81 = tpu.memref_slice %arg11[%dma_wait3A_79, %dma_wait3A_80] : memref<10240x128xf32, #tpu.memory_space<vmem_shared>> -> memref<10240x128xf32, #tpu.memory_space<vmem_shared>>
          tpu.wait_indirect_dma semaphore(%run_scoped3A : memref<!tpu.dma_semaphore, #tpu.memory_space<semaphore_mem>>) src(%arg9 : memref<128x128xf32, #tpu.memory_space<vmem>>) dst(%dma_wait3A_81 : memref<10240x128xf32, #tpu.memory_space<vmem_shared>>)
          tpu.yield
        }) : () -> ()
        %add3A_60 = arith.constant 2 : i32
        %add3A_61 = arith.addi %mul3A_46, %add3A_60 : i32
        %lt3A = arith.constant 40 : i32
        %lt3A_62 = arith.cmpi slt, %add3A_61, %lt3A : i32
        %convert_element_type3A = arith.extui %lt3A_62 : i1 to i32
        %cond3A = arith.constant 0 : i32
        %cond3A_63 = arith.cmpi ne, %convert_element_type3A, %cond3A : i32
        scf.if %cond3A_63 {
          %add3A_70 = arith.constant 2 : i32
          %add3A_71 = arith.addi %mul3A_46, %add3A_70 : i32
          %dma_start3A_72 = arith.constant 0 : i32
          %dma_start3A_73 = tpu.memref_slice %arg7[%add3A_71, %dma_start3A_72] : memref<40x128xi32, #tpu.memory_space<vmem>> -> memref<1x128xi32, #tpu.memory_space<vmem>>
          %dma_start3A_74 = tpu.memref_squeeze %dma_start3A_73 : memref<1x128xi32, #tpu.memory_space<vmem>> -> memref<128xi32, #tpu.memory_space<vmem>>
          %dma_start3A_75 = arith.constant 0 : i32
          %dma_start3A_76 = arith.constant 0 : i32
          %dma_start3A_77 = tpu.memref_slice %arg2[%dma_start3A_75, %dma_start3A_76] : memref<20480x128xf32, #tpu.memory_space<hbm>> -> memref<20480x128xf32, #tpu.memory_space<hbm>>
          tpu.enqueue_indirect_dma source(%dma_start3A_77 : memref<20480x128xf32, #tpu.memory_space<hbm>>) target(%arg9 : memref<128x128xf32, #tpu.memory_space<vmem>>) offsets(%dma_start3A_74 : memref<128xi32, #tpu.memory_space<vmem>>) semaphore(%arg12 : memref<!tpu.dma_semaphore, #tpu.memory_space<semaphore_mem>>)
        } else {
        }
        %dma_wait3A_64 = arith.constant 0 : i32
        %dma_wait3A_65 = tpu.memref_slice %arg7[%add3A_48, %dma_wait3A_64] : memref<40x128xi32, #tpu.memory_space<vmem>> -> memref<1x128xi32, #tpu.memory_space<vmem>>
        %dma_wait3A_66 = tpu.memref_squeeze %dma_wait3A_65 : memref<1x128xi32, #tpu.memory_space<vmem>> -> memref<128xi32, #tpu.memory_space<vmem>>
        %dma_wait3A_67 = arith.constant 0 : i32
        %dma_wait3A_68 = arith.constant 0 : i32
        %dma_wait3A_69 = tpu.memref_slice %arg2[%dma_wait3A_67, %dma_wait3A_68] : memref<20480x128xf32, #tpu.memory_space<hbm>> -> memref<20480x128xf32, #tpu.memory_space<hbm>>
        tpu.wait_indirect_dma semaphore(%arg13 : memref<!tpu.dma_semaphore, #tpu.memory_space<semaphore_mem>>) src(%dma_wait3A_69 : memref<20480x128xf32, #tpu.memory_space<hbm>>) dst(%arg10 : memref<128x128xf32, #tpu.memory_space<vmem>>)
        "tpu.region"() ({
          %run_scoped3A = tpu.sem_alloc : memref<!tpu.dma_semaphore, #tpu.memory_space<semaphore_mem>>
          %dma_start3A_70 = arith.constant 0 : i32
          %dma_start3A_71 = tpu.memref_slice %arg8[%add3A_48, %dma_start3A_70] : memref<40x128xi32, #tpu.memory_space<vmem>> -> memref<1x128xi32, #tpu.memory_space<vmem>>
          %dma_start3A_72 = tpu.memref_squeeze %dma_start3A_71 : memref<1x128xi32, #tpu.memory_space<vmem>> -> memref<128xi32, #tpu.memory_space<vmem>>
          %dma_start3A_73 = arith.constant 0 : i32
          %dma_start3A_74 = arith.constant 0 : i32
          %dma_start3A_75 = tpu.memref_slice %arg11[%dma_start3A_73, %dma_start3A_74] : memref<10240x128xf32, #tpu.memory_space<vmem_shared>> -> memref<10240x128xf32, #tpu.memory_space<vmem_shared>>
          tpu.enqueue_indirect_dma source(%arg10 : memref<128x128xf32, #tpu.memory_space<vmem>>) target(%dma_start3A_75 : memref<10240x128xf32, #tpu.memory_space<vmem_shared>>) offsets(%dma_start3A_72 : memref<128xi32, #tpu.memory_space<vmem>>) semaphore(%run_scoped3A : memref<!tpu.dma_semaphore, #tpu.memory_space<semaphore_mem>>) {add = true}
          %dma_wait3A_76 = arith.constant 0 : i32
          %dma_wait3A_77 = tpu.memref_slice %arg8[%add3A_48, %dma_wait3A_76] : memref<40x128xi32, #tpu.memory_space<vmem>> -> memref<1x128xi32, #tpu.memory_space<vmem>>
          %dma_wait3A_78 = tpu.memref_squeeze %dma_wait3A_77 : memref<1x128xi32, #tpu.memory_space<vmem>> -> memref<128xi32, #tpu.memory_space<vmem>>
          %dma_wait3A_79 = arith.constant 0 : i32
          %dma_wait3A_80 = arith.constant 0 : i32
          %dma_wait3A_81 = tpu.memref_slice %arg11[%dma_wait3A_79, %dma_wait3A_80] : memref<10240x128xf32, #tpu.memory_space<vmem_shared>> -> memref<10240x128xf32, #tpu.memory_space<vmem_shared>>
          tpu.wait_indirect_dma semaphore(%run_scoped3A : memref<!tpu.dma_semaphore, #tpu.memory_space<semaphore_mem>>) src(%arg10 : memref<128x128xf32, #tpu.memory_space<vmem>>) dst(%dma_wait3A_81 : memref<10240x128xf32, #tpu.memory_space<vmem_shared>>)
          tpu.yield
        }) : () -> ()
      }
      %scan3A_43 = arith.constant 20 : i32
    }
    %scan3A_11 = arith.constant 2 : i32
    %barrier3A_12 = arith.constant 0 : index
    tpu.barrier barrier_id(%barrier3A_12)
    %mul3A_13 = arith.constant 640 : i32
    %mul3A_14 = arith.muli %arg1, %mul3A_13 : i32
    %add3A_15 = arith.addi %mul3A_3, %mul3A_14 : i32
    "tpu.region"() ({
      %run_scoped3A = tpu.sem_alloc : memref<!tpu.dma_semaphore, #tpu.memory_space<semaphore_mem>>
      %dma_start3A = arith.constant 0 : i32
      %dma_start3A_18 = tpu.memref_slice %arg6[%add3A_15, %dma_start3A] : memref<20480x128xf32, #tpu.memory_space<hbm>> -> memref<640x128xf32, #tpu.memory_space<hbm>>
      %dma_start3A_19 = arith.constant 0 : i32
      %dma_start3A_20 = tpu.memref_slice %arg11[%mul3A_14, %dma_start3A_19] : memref<10240x128xf32, #tpu.memory_space<vmem_shared>> -> memref<640x128xf32, #tpu.memory_space<vmem_shared>>
      tpu.enqueue_dma source(%dma_start3A_20 : memref<640x128xf32, #tpu.memory_space<vmem_shared>>) target(%dma_start3A_18 : memref<640x128xf32, #tpu.memory_space<hbm>>) target_semaphore(%run_scoped3A : memref<!tpu.dma_semaphore, #tpu.memory_space<semaphore_mem>>)
      %dma_wait3A = arith.constant 0 : i32
      %dma_wait3A_21 = tpu.memref_slice %arg6[%add3A_15, %dma_wait3A] : memref<20480x128xf32, #tpu.memory_space<hbm>> -> memref<640x128xf32, #tpu.memory_space<hbm>>
      %dma_wait3A_22 = arith.constant 0 : i32
      %dma_wait3A_23 = tpu.memref_slice %arg11[%mul3A_14, %dma_wait3A_22] : memref<10240x128xf32, #tpu.memory_space<vmem_shared>> -> memref<640x128xf32, #tpu.memory_space<vmem_shared>>
      tpu.wait_dma2 semaphore(%run_scoped3A : memref<!tpu.dma_semaphore, #tpu.memory_space<semaphore_mem>>) src(%dma_wait3A_23 : memref<640x128xf32, #tpu.memory_space<vmem_shared>>) dst(%dma_wait3A_21 : memref<640x128xf32, #tpu.memory_space<hbm>>)
      tpu.yield
    }) : () -> ()
    %barrier3A_16 = arith.constant 0 : index
    tpu.barrier barrier_id(%barrier3A_16)
    %scan3A_17 = arith.constant 1 : i32
    return
  }
}

#map = affine_map<(d0, d1) -> (0, 0)>
module attributes {stable_mosaic.version = 14 : i64} {
  func.func @segsum(%arg0: i32, %arg1: i32, %arg2: memref<40960x128xf32, #tpu.memory_space<hbm>>, %arg3: memref<640x128xf32, #tpu.memory_space<hbm>>, %arg4: memref<5120x128xi32, #tpu.memory_space<hbm>>, %arg5: memref<1280x128xi32, #tpu.memory_space<hbm>>, %arg6: memref<40960x128xf32, #tpu.memory_space<hbm>>, %arg7: memref<40x128xi32, #tpu.memory_space<vmem>>, %arg8: memref<40x128xi32, #tpu.memory_space<vmem>>, %arg9: memref<128x128xf32, #tpu.memory_space<vmem>>, %arg10: memref<128x128xf32, #tpu.memory_space<vmem>>, %arg11: memref<10240x128xf32, #tpu.memory_space<vmem_shared>>, %arg12: memref<!tpu.dma_semaphore, #tpu.memory_space<semaphore_mem>>, %arg13: memref<!tpu.dma_semaphore, #tpu.memory_space<semaphore_mem>>) attributes {dimension_semantics = [#tpu.dimension_semantics<core_parallel>, #tpu.dimension_semantics<subcore_parallel>], iteration_bounds = array<i64: 2, 16>, scalar_prefetch = 0 : i64, scratch_operands = 7 : i64, tpu.core_type = #tpu.core_type<sc_vector_subcore>, window_params = [{transform_indices = #map}, {transform_indices = #map}, {transform_indices = #map}, {transform_indices = #map}, {transform_indices = #map}]} {
    %scan3A = arith.constant 0 : i32
    %scan3A_0 = arith.constant 0 : i32
    %scan3A_1 = arith.constant 2 : i32
    %scan3A_2 = arith.addi %scan3A_0, %scan3A_1 : i32
    %scan3A_3 = arith.constant 1 : i32
    scf.for %scan3A_5 = %scan3A_0 to %scan3A_2 step %scan3A_3  : i32 {
      %mul3A = arith.constant 2 : i32
      %mul3A_6 = arith.muli %scan3A_5, %mul3A : i32
      %add3A = arith.addi %mul3A_6, %arg0 : i32
      %mul3A_7 = arith.constant 10240 : i32
      %mul3A_8 = arith.muli %add3A, %mul3A_7 : i32
      %mul3A_9 = arith.constant 640 : i32
      %mul3A_10 = arith.muli %arg1, %mul3A_9 : i32
      "tpu.region"() ({
        %run_scoped3A = tpu.sem_alloc : memref<!tpu.dma_semaphore, #tpu.memory_space<semaphore_mem>>
        %dma_start3A = arith.constant 0 : i32
        %dma_start3A_22 = tpu.memref_slice %arg11[%mul3A_10, %dma_start3A] : memref<10240x128xf32, #tpu.memory_space<vmem_shared>> -> memref<640x128xf32, #tpu.memory_space<vmem_shared>>
        tpu.enqueue_dma source(%arg3 : memref<640x128xf32, #tpu.memory_space<hbm>>) target(%dma_start3A_22 : memref<640x128xf32, #tpu.memory_space<vmem_shared>>) target_semaphore(%run_scoped3A : memref<!tpu.dma_semaphore, #tpu.memory_space<semaphore_mem>>)
        %dma_wait3A = arith.constant 0 : i32
        %dma_wait3A_23 = tpu.memref_slice %arg11[%mul3A_10, %dma_wait3A] : memref<10240x128xf32, #tpu.memory_space<vmem_shared>> -> memref<640x128xf32, #tpu.memory_space<vmem_shared>>
        tpu.wait_dma2 semaphore(%run_scoped3A : memref<!tpu.dma_semaphore, #tpu.memory_space<semaphore_mem>>) src(%arg3 : memref<640x128xf32, #tpu.memory_space<hbm>>) dst(%dma_wait3A_23 : memref<640x128xf32, #tpu.memory_space<vmem_shared>>)
        tpu.yield
      }) : () -> ()
      %barrier3A = arith.constant 0 : index
      tpu.barrier barrier_id(%barrier3A)
      %scan3A_11 = arith.constant 0 : i32
      %scan3A_12 = arith.constant 0 : i32
      %scan3A_13 = arith.constant 2 : i32
      %scan3A_14 = arith.addi %scan3A_12, %scan3A_13 : i32
      %scan3A_15 = arith.constant 1 : i32
      scf.for %scan3A_22 = %scan3A_12 to %scan3A_14 step %scan3A_15  : i32 {
        %mul3A_23 = arith.constant 1280 : i32
        %mul3A_24 = arith.muli %add3A, %mul3A_23 : i32
        %mul3A_25 = arith.constant 80 : i32
        %mul3A_26 = arith.muli %arg1, %mul3A_25 : i32
        %add3A_27 = arith.addi %mul3A_24, %mul3A_26 : i32
        %mul3A_28 = arith.constant 40 : i32
        %mul3A_29 = arith.muli %scan3A_22, %mul3A_28 : i32
        %add3A_30 = arith.addi %add3A_27, %mul3A_29 : i32
        %mul3A_31 = arith.constant 80 : i32
        %mul3A_32 = arith.muli %arg1, %mul3A_31 : i32
        %mul3A_33 = arith.constant 40 : i32
        %mul3A_34 = arith.muli %scan3A_22, %mul3A_33 : i32
        %add3A_35 = arith.addi %mul3A_32, %mul3A_34 : i32
        "tpu.region"() ({
          %run_scoped3A = tpu.sem_alloc : memref<!tpu.dma_semaphore, #tpu.memory_space<semaphore_mem>>
          %dma_start3A_48 = arith.constant 0 : i32
          %dma_start3A_49 = tpu.memref_slice %arg4[%add3A_30, %dma_start3A_48] : memref<5120x128xi32, #tpu.memory_space<hbm>> -> memref<40x128xi32, #tpu.memory_space<hbm>>
          %dma_start3A_50 = arith.constant 0 : i32
          %dma_start3A_51 = tpu.memref_slice %arg4[%add3A_30, %dma_start3A_50] : memref<5120x128xi32, #tpu.memory_space<hbm>> -> memref<40x128xi32, #tpu.memory_space<hbm>>
          tpu.enqueue_dma source(%dma_start3A_51 : memref<40x128xi32, #tpu.memory_space<hbm>>) target(%arg7 : memref<40x128xi32, #tpu.memory_space<vmem>>) target_semaphore(%run_scoped3A : memref<!tpu.dma_semaphore, #tpu.memory_space<semaphore_mem>>)
          %dma_wait3A = arith.constant 0 : i32
          %dma_wait3A_52 = tpu.memref_slice %arg4[%add3A_30, %dma_wait3A] : memref<5120x128xi32, #tpu.memory_space<hbm>> -> memref<40x128xi32, #tpu.memory_space<hbm>>
          %dma_wait3A_53 = arith.constant 0 : i32
          %dma_wait3A_54 = tpu.memref_slice %arg4[%add3A_30, %dma_wait3A_53] : memref<5120x128xi32, #tpu.memory_space<hbm>> -> memref<40x128xi32, #tpu.memory_space<hbm>>
          tpu.wait_dma2 semaphore(%run_scoped3A : memref<!tpu.dma_semaphore, #tpu.memory_space<semaphore_mem>>) src(%dma_wait3A_54 : memref<40x128xi32, #tpu.memory_space<hbm>>) dst(%arg7 : memref<40x128xi32, #tpu.memory_space<vmem>>)
          tpu.yield
        }) : () -> ()
        "tpu.region"() ({
          %run_scoped3A = tpu.sem_alloc : memref<!tpu.dma_semaphore, #tpu.memory_space<semaphore_mem>>
          %dma_start3A_48 = arith.constant 0 : i32
          %dma_start3A_49 = tpu.memref_slice %arg5[%add3A_35, %dma_start3A_48] : memref<1280x128xi32, #tpu.memory_space<hbm>> -> memref<40x128xi32, #tpu.memory_space<hbm>>
          %dma_start3A_50 = arith.constant 0 : i32
          %dma_start3A_51 = tpu.memref_slice %arg5[%add3A_35, %dma_start3A_50] : memref<1280x128xi32, #tpu.memory_space<hbm>> -> memref<40x128xi32, #tpu.memory_space<hbm>>
          tpu.enqueue_dma source(%dma_start3A_51 : memref<40x128xi32, #tpu.memory_space<hbm>>) target(%arg8 : memref<40x128xi32, #tpu.memory_space<vmem>>) target_semaphore(%run_scoped3A : memref<!tpu.dma_semaphore, #tpu.memory_space<semaphore_mem>>)
          %dma_wait3A = arith.constant 0 : i32
          %dma_wait3A_52 = tpu.memref_slice %arg5[%add3A_35, %dma_wait3A] : memref<1280x128xi32, #tpu.memory_space<hbm>> -> memref<40x128xi32, #tpu.memory_space<hbm>>
          %dma_wait3A_53 = arith.constant 0 : i32
          %dma_wait3A_54 = tpu.memref_slice %arg5[%add3A_35, %dma_wait3A_53] : memref<1280x128xi32, #tpu.memory_space<hbm>> -> memref<40x128xi32, #tpu.memory_space<hbm>>
          tpu.wait_dma2 semaphore(%run_scoped3A : memref<!tpu.dma_semaphore, #tpu.memory_space<semaphore_mem>>) src(%dma_wait3A_54 : memref<40x128xi32, #tpu.memory_space<hbm>>) dst(%arg8 : memref<40x128xi32, #tpu.memory_space<vmem>>)
          tpu.yield
        }) : () -> ()
        %dma_start3A = arith.constant 0 : i32
        %dma_start3A_36 = arith.constant 0 : i32
        %dma_start3A_37 = tpu.memref_slice %arg7[%dma_start3A, %dma_start3A_36] : memref<40x128xi32, #tpu.memory_space<vmem>> -> memref<1x128xi32, #tpu.memory_space<vmem>>
        %dma_start3A_38 = tpu.memref_squeeze %dma_start3A_37 : memref<1x128xi32, #tpu.memory_space<vmem>> -> memref<128xi32, #tpu.memory_space<vmem>>
        %dma_start3A_39 = arith.constant 0 : i32
        %dma_start3A_40 = arith.constant 0 : i32
        %dma_start3A_41 = tpu.memref_slice %arg2[%dma_start3A_39, %dma_start3A_40] : memref<40960x128xf32, #tpu.memory_space<hbm>> -> memref<40960x128xf32, #tpu.memory_space<hbm>>
        tpu.enqueue_indirect_dma source(%dma_start3A_41 : memref<40960x128xf32, #tpu.memory_space<hbm>>) target(%arg9 : memref<128x128xf32, #tpu.memory_space<vmem>>) offsets(%dma_start3A_38 : memref<128xi32, #tpu.memory_space<vmem>>) semaphore(%arg12 : memref<!tpu.dma_semaphore, #tpu.memory_space<semaphore_mem>>)
        %scan3A_42 = arith.constant 0 : i32
        %scan3A_43 = arith.constant 0 : i32
        %scan3A_44 = arith.constant 20 : i32
        %scan3A_45 = arith.addi %scan3A_43, %scan3A_44 : i32
        %scan3A_46 = arith.constant 1 : i32
        scf.for %scan3A_48 = %scan3A_43 to %scan3A_45 step %scan3A_46  : i32 {
          %mul3A_49 = arith.constant 2 : i32
          %mul3A_50 = arith.muli %mul3A_49, %scan3A_48 : i32
          %add3A_51 = arith.constant 1 : i32
          %add3A_52 = arith.addi %mul3A_50, %add3A_51 : i32
          %dma_start3A_53 = arith.constant 0 : i32
          %dma_start3A_54 = tpu.memref_slice %arg7[%add3A_52, %dma_start3A_53] : memref<40x128xi32, #tpu.memory_space<vmem>> -> memref<1x128xi32, #tpu.memory_space<vmem>>
          %dma_start3A_55 = tpu.memref_squeeze %dma_start3A_54 : memref<1x128xi32, #tpu.memory_space<vmem>> -> memref<128xi32, #tpu.memory_space<vmem>>
          %dma_start3A_56 = arith.constant 0 : i32
          %dma_start3A_57 = arith.constant 0 : i32
          %dma_start3A_58 = tpu.memref_slice %arg2[%dma_start3A_56, %dma_start3A_57] : memref<40960x128xf32, #tpu.memory_space<hbm>> -> memref<40960x128xf32, #tpu.memory_space<hbm>>
          tpu.enqueue_indirect_dma source(%dma_start3A_58 : memref<40960x128xf32, #tpu.memory_space<hbm>>) target(%arg10 : memref<128x128xf32, #tpu.memory_space<vmem>>) offsets(%dma_start3A_55 : memref<128xi32, #tpu.memory_space<vmem>>) semaphore(%arg13 : memref<!tpu.dma_semaphore, #tpu.memory_space<semaphore_mem>>)
          %dma_wait3A = arith.constant 0 : i32
          %dma_wait3A_59 = tpu.memref_slice %arg7[%mul3A_50, %dma_wait3A] : memref<40x128xi32, #tpu.memory_space<vmem>> -> memref<1x128xi32, #tpu.memory_space<vmem>>
          %dma_wait3A_60 = tpu.memref_squeeze %dma_wait3A_59 : memref<1x128xi32, #tpu.memory_space<vmem>> -> memref<128xi32, #tpu.memory_space<vmem>>
          %dma_wait3A_61 = arith.constant 0 : i32
          %dma_wait3A_62 = arith.constant 0 : i32
          %dma_wait3A_63 = tpu.memref_slice %arg2[%dma_wait3A_61, %dma_wait3A_62] : memref<40960x128xf32, #tpu.memory_space<hbm>> -> memref<40960x128xf32, #tpu.memory_space<hbm>>
          tpu.wait_indirect_dma semaphore(%arg12 : memref<!tpu.dma_semaphore, #tpu.memory_space<semaphore_mem>>) src(%dma_wait3A_63 : memref<40960x128xf32, #tpu.memory_space<hbm>>) dst(%arg9 : memref<128x128xf32, #tpu.memory_space<vmem>>)
          "tpu.region"() ({
            %run_scoped3A = tpu.sem_alloc : memref<!tpu.dma_semaphore, #tpu.memory_space<semaphore_mem>>
            %dma_start3A_74 = arith.constant 0 : i32
            %dma_start3A_75 = tpu.memref_slice %arg8[%mul3A_50, %dma_start3A_74] : memref<40x128xi32, #tpu.memory_space<vmem>> -> memref<1x128xi32, #tpu.memory_space<vmem>>
            %dma_start3A_76 = tpu.memref_squeeze %dma_start3A_75 : memref<1x128xi32, #tpu.memory_space<vmem>> -> memref<128xi32, #tpu.memory_space<vmem>>
            %dma_start3A_77 = arith.constant 0 : i32
            %dma_start3A_78 = arith.constant 0 : i32
            %dma_start3A_79 = tpu.memref_slice %arg11[%dma_start3A_77, %dma_start3A_78] : memref<10240x128xf32, #tpu.memory_space<vmem_shared>> -> memref<10240x128xf32, #tpu.memory_space<vmem_shared>>
            tpu.enqueue_indirect_dma source(%arg9 : memref<128x128xf32, #tpu.memory_space<vmem>>) target(%dma_start3A_79 : memref<10240x128xf32, #tpu.memory_space<vmem_shared>>) offsets(%dma_start3A_76 : memref<128xi32, #tpu.memory_space<vmem>>) semaphore(%run_scoped3A : memref<!tpu.dma_semaphore, #tpu.memory_space<semaphore_mem>>) {add = true}
            %dma_wait3A_80 = arith.constant 0 : i32
            %dma_wait3A_81 = tpu.memref_slice %arg8[%mul3A_50, %dma_wait3A_80] : memref<40x128xi32, #tpu.memory_space<vmem>> -> memref<1x128xi32, #tpu.memory_space<vmem>>
            %dma_wait3A_82 = tpu.memref_squeeze %dma_wait3A_81 : memref<1x128xi32, #tpu.memory_space<vmem>> -> memref<128xi32, #tpu.memory_space<vmem>>
            %dma_wait3A_83 = arith.constant 0 : i32
            %dma_wait3A_84 = arith.constant 0 : i32
            %dma_wait3A_85 = tpu.memref_slice %arg11[%dma_wait3A_83, %dma_wait3A_84] : memref<10240x128xf32, #tpu.memory_space<vmem_shared>> -> memref<10240x128xf32, #tpu.memory_space<vmem_shared>>
            tpu.wait_indirect_dma semaphore(%run_scoped3A : memref<!tpu.dma_semaphore, #tpu.memory_space<semaphore_mem>>) src(%arg9 : memref<128x128xf32, #tpu.memory_space<vmem>>) dst(%dma_wait3A_85 : memref<10240x128xf32, #tpu.memory_space<vmem_shared>>)
            tpu.yield
          }) : () -> ()
          %add3A_64 = arith.constant 2 : i32
          %add3A_65 = arith.addi %mul3A_50, %add3A_64 : i32
          %lt3A = arith.constant 40 : i32
          %lt3A_66 = arith.cmpi slt, %add3A_65, %lt3A : i32
          %convert_element_type3A = arith.extui %lt3A_66 : i1 to i32
          %cond3A = arith.constant 0 : i32
          %cond3A_67 = arith.cmpi ne, %convert_element_type3A, %cond3A : i32
          scf.if %cond3A_67 {
            %add3A_74 = arith.constant 2 : i32
            %add3A_75 = arith.addi %mul3A_50, %add3A_74 : i32
            %dma_start3A_76 = arith.constant 0 : i32
            %dma_start3A_77 = tpu.memref_slice %arg7[%add3A_75, %dma_start3A_76] : memref<40x128xi32, #tpu.memory_space<vmem>> -> memref<1x128xi32, #tpu.memory_space<vmem>>
            %dma_start3A_78 = tpu.memref_squeeze %dma_start3A_77 : memref<1x128xi32, #tpu.memory_space<vmem>> -> memref<128xi32, #tpu.memory_space<vmem>>
            %dma_start3A_79 = arith.constant 0 : i32
            %dma_start3A_80 = arith.constant 0 : i32
            %dma_start3A_81 = tpu.memref_slice %arg2[%dma_start3A_79, %dma_start3A_80] : memref<40960x128xf32, #tpu.memory_space<hbm>> -> memref<40960x128xf32, #tpu.memory_space<hbm>>
            tpu.enqueue_indirect_dma source(%dma_start3A_81 : memref<40960x128xf32, #tpu.memory_space<hbm>>) target(%arg9 : memref<128x128xf32, #tpu.memory_space<vmem>>) offsets(%dma_start3A_78 : memref<128xi32, #tpu.memory_space<vmem>>) semaphore(%arg12 : memref<!tpu.dma_semaphore, #tpu.memory_space<semaphore_mem>>)
          } else {
          }
          %dma_wait3A_68 = arith.constant 0 : i32
          %dma_wait3A_69 = tpu.memref_slice %arg7[%add3A_52, %dma_wait3A_68] : memref<40x128xi32, #tpu.memory_space<vmem>> -> memref<1x128xi32, #tpu.memory_space<vmem>>
          %dma_wait3A_70 = tpu.memref_squeeze %dma_wait3A_69 : memref<1x128xi32, #tpu.memory_space<vmem>> -> memref<128xi32, #tpu.memory_space<vmem>>
          %dma_wait3A_71 = arith.constant 0 : i32
          %dma_wait3A_72 = arith.constant 0 : i32
          %dma_wait3A_73 = tpu.memref_slice %arg2[%dma_wait3A_71, %dma_wait3A_72] : memref<40960x128xf32, #tpu.memory_space<hbm>> -> memref<40960x128xf32, #tpu.memory_space<hbm>>
          tpu.wait_indirect_dma semaphore(%arg13 : memref<!tpu.dma_semaphore, #tpu.memory_space<semaphore_mem>>) src(%dma_wait3A_73 : memref<40960x128xf32, #tpu.memory_space<hbm>>) dst(%arg10 : memref<128x128xf32, #tpu.memory_space<vmem>>)
          "tpu.region"() ({
            %run_scoped3A = tpu.sem_alloc : memref<!tpu.dma_semaphore, #tpu.memory_space<semaphore_mem>>
            %dma_start3A_74 = arith.constant 0 : i32
            %dma_start3A_75 = tpu.memref_slice %arg8[%add3A_52, %dma_start3A_74] : memref<40x128xi32, #tpu.memory_space<vmem>> -> memref<1x128xi32, #tpu.memory_space<vmem>>
            %dma_start3A_76 = tpu.memref_squeeze %dma_start3A_75 : memref<1x128xi32, #tpu.memory_space<vmem>> -> memref<128xi32, #tpu.memory_space<vmem>>
            %dma_start3A_77 = arith.constant 0 : i32
            %dma_start3A_78 = arith.constant 0 : i32
            %dma_start3A_79 = tpu.memref_slice %arg11[%dma_start3A_77, %dma_start3A_78] : memref<10240x128xf32, #tpu.memory_space<vmem_shared>> -> memref<10240x128xf32, #tpu.memory_space<vmem_shared>>
            tpu.enqueue_indirect_dma source(%arg10 : memref<128x128xf32, #tpu.memory_space<vmem>>) target(%dma_start3A_79 : memref<10240x128xf32, #tpu.memory_space<vmem_shared>>) offsets(%dma_start3A_76 : memref<128xi32, #tpu.memory_space<vmem>>) semaphore(%run_scoped3A : memref<!tpu.dma_semaphore, #tpu.memory_space<semaphore_mem>>) {add = true}
            %dma_wait3A_80 = arith.constant 0 : i32
            %dma_wait3A_81 = tpu.memref_slice %arg8[%add3A_52, %dma_wait3A_80] : memref<40x128xi32, #tpu.memory_space<vmem>> -> memref<1x128xi32, #tpu.memory_space<vmem>>
            %dma_wait3A_82 = tpu.memref_squeeze %dma_wait3A_81 : memref<1x128xi32, #tpu.memory_space<vmem>> -> memref<128xi32, #tpu.memory_space<vmem>>
            %dma_wait3A_83 = arith.constant 0 : i32
            %dma_wait3A_84 = arith.constant 0 : i32
            %dma_wait3A_85 = tpu.memref_slice %arg11[%dma_wait3A_83, %dma_wait3A_84] : memref<10240x128xf32, #tpu.memory_space<vmem_shared>> -> memref<10240x128xf32, #tpu.memory_space<vmem_shared>>
            tpu.wait_indirect_dma semaphore(%run_scoped3A : memref<!tpu.dma_semaphore, #tpu.memory_space<semaphore_mem>>) src(%arg10 : memref<128x128xf32, #tpu.memory_space<vmem>>) dst(%dma_wait3A_85 : memref<10240x128xf32, #tpu.memory_space<vmem_shared>>)
            tpu.yield
          }) : () -> ()
        }
        %scan3A_47 = arith.constant 20 : i32
      }
      %scan3A_16 = arith.constant 2 : i32
      %barrier3A_17 = arith.constant 0 : index
      tpu.barrier barrier_id(%barrier3A_17)
      %mul3A_18 = arith.constant 640 : i32
      %mul3A_19 = arith.muli %arg1, %mul3A_18 : i32
      %add3A_20 = arith.addi %mul3A_8, %mul3A_19 : i32
      "tpu.region"() ({
        %run_scoped3A = tpu.sem_alloc : memref<!tpu.dma_semaphore, #tpu.memory_space<semaphore_mem>>
        %dma_start3A = arith.constant 0 : i32
        %dma_start3A_22 = tpu.memref_slice %arg6[%add3A_20, %dma_start3A] : memref<40960x128xf32, #tpu.memory_space<hbm>> -> memref<640x128xf32, #tpu.memory_space<hbm>>
        %dma_start3A_23 = arith.constant 0 : i32
        %dma_start3A_24 = tpu.memref_slice %arg11[%mul3A_19, %dma_start3A_23] : memref<10240x128xf32, #tpu.memory_space<vmem_shared>> -> memref<640x128xf32, #tpu.memory_space<vmem_shared>>
        tpu.enqueue_dma source(%dma_start3A_24 : memref<640x128xf32, #tpu.memory_space<vmem_shared>>) target(%dma_start3A_22 : memref<640x128xf32, #tpu.memory_space<hbm>>) target_semaphore(%run_scoped3A : memref<!tpu.dma_semaphore, #tpu.memory_space<semaphore_mem>>)
        %dma_wait3A = arith.constant 0 : i32
        %dma_wait3A_25 = tpu.memref_slice %arg6[%add3A_20, %dma_wait3A] : memref<40960x128xf32, #tpu.memory_space<hbm>> -> memref<640x128xf32, #tpu.memory_space<hbm>>
        %dma_wait3A_26 = arith.constant 0 : i32
        %dma_wait3A_27 = tpu.memref_slice %arg11[%mul3A_19, %dma_wait3A_26] : memref<10240x128xf32, #tpu.memory_space<vmem_shared>> -> memref<640x128xf32, #tpu.memory_space<vmem_shared>>
        tpu.wait_dma2 semaphore(%run_scoped3A : memref<!tpu.dma_semaphore, #tpu.memory_space<semaphore_mem>>) src(%dma_wait3A_27 : memref<640x128xf32, #tpu.memory_space<vmem_shared>>) dst(%dma_wait3A_25 : memref<640x128xf32, #tpu.memory_space<hbm>>)
        tpu.yield
      }) : () -> ()
      %barrier3A_21 = arith.constant 0 : index
      tpu.barrier barrier_id(%barrier3A_21)
    }
    %scan3A_4 = arith.constant 2 : i32
    return
  }
}

#map = affine_map<(d0, d1) -> (0, 0)>
module attributes {stable_mosaic.version = 14 : i64} {
  func.func @segsum(%arg0: i32, %arg1: i32, %arg2: memref<40960x128xf32, #tpu.memory_space<hbm>>, %arg3: memref<640x128xf32, #tpu.memory_space<hbm>>, %arg4: memref<5120x128xi32, #tpu.memory_space<hbm>>, %arg5: memref<1280x128xi32, #tpu.memory_space<hbm>>, %arg6: memref<40960x128xf32, #tpu.memory_space<hbm>>, %arg7: memref<40x128xi32, #tpu.memory_space<vmem>>, %arg8: memref<40x128xi32, #tpu.memory_space<vmem>>, %arg9: memref<128x128xf32, #tpu.memory_space<vmem>>, %arg10: memref<128x128xf32, #tpu.memory_space<vmem>>, %arg11: memref<10240x128xf32, #tpu.memory_space<vmem_shared>>, %arg12: memref<!tpu.dma_semaphore, #tpu.memory_space<semaphore_mem>>, %arg13: memref<!tpu.dma_semaphore, #tpu.memory_space<semaphore_mem>>) attributes {dimension_semantics = [#tpu.dimension_semantics<core_parallel>, #tpu.dimension_semantics<subcore_parallel>], iteration_bounds = array<i64: 2, 16>, scalar_prefetch = 0 : i64, scratch_operands = 7 : i64, tpu.core_type = #tpu.core_type<sc_vector_subcore>, window_params = [{transform_indices = #map}, {transform_indices = #map}, {transform_indices = #map}, {transform_indices = #map}, {transform_indices = #map}]} {
    %scan3A = arith.constant 0 : i32
    %scan3A_0 = arith.constant 0 : i32
    %scan3A_1 = arith.constant 2 : i32
    %scan3A_2 = arith.addi %scan3A_0, %scan3A_1 : i32
    %scan3A_3 = arith.constant 1 : i32
    scf.for %scan3A_5 = %scan3A_0 to %scan3A_2 step %scan3A_3  : i32 {
      %mul3A = arith.constant 2 : i32
      %mul3A_6 = arith.muli %scan3A_5, %mul3A : i32
      %add3A = arith.addi %mul3A_6, %arg0 : i32
      %mul3A_7 = arith.constant 10240 : i32
      %mul3A_8 = arith.muli %add3A, %mul3A_7 : i32
      %mul3A_9 = arith.constant 640 : i32
      %mul3A_10 = arith.muli %arg1, %mul3A_9 : i32
      "tpu.region"() ({
        %run_scoped3A = tpu.sem_alloc : memref<!tpu.dma_semaphore, #tpu.memory_space<semaphore_mem>>
        %dma_start3A = arith.constant 0 : i32
        %dma_start3A_22 = tpu.memref_slice %arg11[%mul3A_10, %dma_start3A] : memref<10240x128xf32, #tpu.memory_space<vmem_shared>> -> memref<640x128xf32, #tpu.memory_space<vmem_shared>>
        tpu.enqueue_dma source(%arg3 : memref<640x128xf32, #tpu.memory_space<hbm>>) target(%dma_start3A_22 : memref<640x128xf32, #tpu.memory_space<vmem_shared>>) target_semaphore(%run_scoped3A : memref<!tpu.dma_semaphore, #tpu.memory_space<semaphore_mem>>)
        %dma_wait3A = arith.constant 0 : i32
        %dma_wait3A_23 = tpu.memref_slice %arg11[%mul3A_10, %dma_wait3A] : memref<10240x128xf32, #tpu.memory_space<vmem_shared>> -> memref<640x128xf32, #tpu.memory_space<vmem_shared>>
        tpu.wait_dma2 semaphore(%run_scoped3A : memref<!tpu.dma_semaphore, #tpu.memory_space<semaphore_mem>>) src(%arg3 : memref<640x128xf32, #tpu.memory_space<hbm>>) dst(%dma_wait3A_23 : memref<640x128xf32, #tpu.memory_space<vmem_shared>>)
        tpu.yield
      }) : () -> ()
      %barrier3A = arith.constant 0 : index
      tpu.barrier barrier_id(%barrier3A)
      %scan3A_11 = arith.constant 0 : i32
      %scan3A_12 = arith.constant 0 : i32
      %scan3A_13 = arith.constant 2 : i32
      %scan3A_14 = arith.addi %scan3A_12, %scan3A_13 : i32
      %scan3A_15 = arith.constant 1 : i32
      scf.for %scan3A_22 = %scan3A_12 to %scan3A_14 step %scan3A_15  : i32 {
        %mul3A_23 = arith.constant 1280 : i32
        %mul3A_24 = arith.muli %add3A, %mul3A_23 : i32
        %mul3A_25 = arith.constant 80 : i32
        %mul3A_26 = arith.muli %arg1, %mul3A_25 : i32
        %add3A_27 = arith.addi %mul3A_24, %mul3A_26 : i32
        %mul3A_28 = arith.constant 40 : i32
        %mul3A_29 = arith.muli %scan3A_22, %mul3A_28 : i32
        %add3A_30 = arith.addi %add3A_27, %mul3A_29 : i32
        %mul3A_31 = arith.constant 80 : i32
        %mul3A_32 = arith.muli %arg1, %mul3A_31 : i32
        %mul3A_33 = arith.constant 40 : i32
        %mul3A_34 = arith.muli %scan3A_22, %mul3A_33 : i32
        %add3A_35 = arith.addi %mul3A_32, %mul3A_34 : i32
        "tpu.region"() ({
          %run_scoped3A = tpu.sem_alloc : memref<!tpu.dma_semaphore, #tpu.memory_space<semaphore_mem>>
          %dma_start3A_48 = arith.constant 0 : i32
          %dma_start3A_49 = tpu.memref_slice %arg4[%add3A_30, %dma_start3A_48] : memref<5120x128xi32, #tpu.memory_space<hbm>> -> memref<40x128xi32, #tpu.memory_space<hbm>>
          %dma_start3A_50 = arith.constant 0 : i32
          %dma_start3A_51 = tpu.memref_slice %arg4[%add3A_30, %dma_start3A_50] : memref<5120x128xi32, #tpu.memory_space<hbm>> -> memref<40x128xi32, #tpu.memory_space<hbm>>
          tpu.enqueue_dma source(%dma_start3A_51 : memref<40x128xi32, #tpu.memory_space<hbm>>) target(%arg7 : memref<40x128xi32, #tpu.memory_space<vmem>>) target_semaphore(%run_scoped3A : memref<!tpu.dma_semaphore, #tpu.memory_space<semaphore_mem>>)
          %dma_wait3A = arith.constant 0 : i32
          %dma_wait3A_52 = tpu.memref_slice %arg4[%add3A_30, %dma_wait3A] : memref<5120x128xi32, #tpu.memory_space<hbm>> -> memref<40x128xi32, #tpu.memory_space<hbm>>
          %dma_wait3A_53 = arith.constant 0 : i32
          %dma_wait3A_54 = tpu.memref_slice %arg4[%add3A_30, %dma_wait3A_53] : memref<5120x128xi32, #tpu.memory_space<hbm>> -> memref<40x128xi32, #tpu.memory_space<hbm>>
          tpu.wait_dma2 semaphore(%run_scoped3A : memref<!tpu.dma_semaphore, #tpu.memory_space<semaphore_mem>>) src(%dma_wait3A_54 : memref<40x128xi32, #tpu.memory_space<hbm>>) dst(%arg7 : memref<40x128xi32, #tpu.memory_space<vmem>>)
          tpu.yield
        }) : () -> ()
        "tpu.region"() ({
          %run_scoped3A = tpu.sem_alloc : memref<!tpu.dma_semaphore, #tpu.memory_space<semaphore_mem>>
          %dma_start3A_48 = arith.constant 0 : i32
          %dma_start3A_49 = tpu.memref_slice %arg5[%add3A_35, %dma_start3A_48] : memref<1280x128xi32, #tpu.memory_space<hbm>> -> memref<40x128xi32, #tpu.memory_space<hbm>>
          %dma_start3A_50 = arith.constant 0 : i32
          %dma_start3A_51 = tpu.memref_slice %arg5[%add3A_35, %dma_start3A_50] : memref<1280x128xi32, #tpu.memory_space<hbm>> -> memref<40x128xi32, #tpu.memory_space<hbm>>
          tpu.enqueue_dma source(%dma_start3A_51 : memref<40x128xi32, #tpu.memory_space<hbm>>) target(%arg8 : memref<40x128xi32, #tpu.memory_space<vmem>>) target_semaphore(%run_scoped3A : memref<!tpu.dma_semaphore, #tpu.memory_space<semaphore_mem>>)
          %dma_wait3A = arith.constant 0 : i32
          %dma_wait3A_52 = tpu.memref_slice %arg5[%add3A_35, %dma_wait3A] : memref<1280x128xi32, #tpu.memory_space<hbm>> -> memref<40x128xi32, #tpu.memory_space<hbm>>
          %dma_wait3A_53 = arith.constant 0 : i32
          %dma_wait3A_54 = tpu.memref_slice %arg5[%add3A_35, %dma_wait3A_53] : memref<1280x128xi32, #tpu.memory_space<hbm>> -> memref<40x128xi32, #tpu.memory_space<hbm>>
          tpu.wait_dma2 semaphore(%run_scoped3A : memref<!tpu.dma_semaphore, #tpu.memory_space<semaphore_mem>>) src(%dma_wait3A_54 : memref<40x128xi32, #tpu.memory_space<hbm>>) dst(%arg8 : memref<40x128xi32, #tpu.memory_space<vmem>>)
          tpu.yield
        }) : () -> ()
        %dma_start3A = arith.constant 0 : i32
        %dma_start3A_36 = arith.constant 0 : i32
        %dma_start3A_37 = tpu.memref_slice %arg7[%dma_start3A, %dma_start3A_36] : memref<40x128xi32, #tpu.memory_space<vmem>> -> memref<1x128xi32, #tpu.memory_space<vmem>>
        %dma_start3A_38 = tpu.memref_squeeze %dma_start3A_37 : memref<1x128xi32, #tpu.memory_space<vmem>> -> memref<128xi32, #tpu.memory_space<vmem>>
        %dma_start3A_39 = arith.constant 0 : i32
        %dma_start3A_40 = arith.constant 0 : i32
        %dma_start3A_41 = tpu.memref_slice %arg2[%dma_start3A_39, %dma_start3A_40] : memref<40960x128xf32, #tpu.memory_space<hbm>> -> memref<40960x128xf32, #tpu.memory_space<hbm>>
        tpu.enqueue_indirect_dma source(%dma_start3A_41 : memref<40960x128xf32, #tpu.memory_space<hbm>>) target(%arg9 : memref<128x128xf32, #tpu.memory_space<vmem>>) offsets(%dma_start3A_38 : memref<128xi32, #tpu.memory_space<vmem>>) semaphore(%arg12 : memref<!tpu.dma_semaphore, #tpu.memory_space<semaphore_mem>>)
        %scan3A_42 = arith.constant 0 : i32
        %scan3A_43 = arith.constant 0 : i32
        %scan3A_44 = arith.constant 20 : i32
        %scan3A_45 = arith.addi %scan3A_43, %scan3A_44 : i32
        %scan3A_46 = arith.constant 1 : i32
        scf.for %scan3A_48 = %scan3A_43 to %scan3A_45 step %scan3A_46  : i32 {
          %mul3A_49 = arith.constant 2 : i32
          %mul3A_50 = arith.muli %mul3A_49, %scan3A_48 : i32
          %add3A_51 = arith.constant 1 : i32
          %add3A_52 = arith.addi %mul3A_50, %add3A_51 : i32
          %dma_start3A_53 = arith.constant 0 : i32
          %dma_start3A_54 = tpu.memref_slice %arg7[%add3A_52, %dma_start3A_53] : memref<40x128xi32, #tpu.memory_space<vmem>> -> memref<1x128xi32, #tpu.memory_space<vmem>>
          %dma_start3A_55 = tpu.memref_squeeze %dma_start3A_54 : memref<1x128xi32, #tpu.memory_space<vmem>> -> memref<128xi32, #tpu.memory_space<vmem>>
          %dma_start3A_56 = arith.constant 0 : i32
          %dma_start3A_57 = arith.constant 0 : i32
          %dma_start3A_58 = tpu.memref_slice %arg2[%dma_start3A_56, %dma_start3A_57] : memref<40960x128xf32, #tpu.memory_space<hbm>> -> memref<40960x128xf32, #tpu.memory_space<hbm>>
          tpu.enqueue_indirect_dma source(%dma_start3A_58 : memref<40960x128xf32, #tpu.memory_space<hbm>>) target(%arg10 : memref<128x128xf32, #tpu.memory_space<vmem>>) offsets(%dma_start3A_55 : memref<128xi32, #tpu.memory_space<vmem>>) semaphore(%arg13 : memref<!tpu.dma_semaphore, #tpu.memory_space<semaphore_mem>>)
          %dma_wait3A = arith.constant 0 : i32
          %dma_wait3A_59 = tpu.memref_slice %arg7[%mul3A_50, %dma_wait3A] : memref<40x128xi32, #tpu.memory_space<vmem>> -> memref<1x128xi32, #tpu.memory_space<vmem>>
          %dma_wait3A_60 = tpu.memref_squeeze %dma_wait3A_59 : memref<1x128xi32, #tpu.memory_space<vmem>> -> memref<128xi32, #tpu.memory_space<vmem>>
          %dma_wait3A_61 = arith.constant 0 : i32
          %dma_wait3A_62 = arith.constant 0 : i32
          %dma_wait3A_63 = tpu.memref_slice %arg2[%dma_wait3A_61, %dma_wait3A_62] : memref<40960x128xf32, #tpu.memory_space<hbm>> -> memref<40960x128xf32, #tpu.memory_space<hbm>>
          tpu.wait_indirect_dma semaphore(%arg12 : memref<!tpu.dma_semaphore, #tpu.memory_space<semaphore_mem>>) src(%dma_wait3A_63 : memref<40960x128xf32, #tpu.memory_space<hbm>>) dst(%arg9 : memref<128x128xf32, #tpu.memory_space<vmem>>)
          "tpu.region"() ({
            %run_scoped3A = tpu.sem_alloc : memref<!tpu.dma_semaphore, #tpu.memory_space<semaphore_mem>>
            %dma_start3A_74 = arith.constant 0 : i32
            %dma_start3A_75 = tpu.memref_slice %arg8[%mul3A_50, %dma_start3A_74] : memref<40x128xi32, #tpu.memory_space<vmem>> -> memref<1x128xi32, #tpu.memory_space<vmem>>
            %dma_start3A_76 = tpu.memref_squeeze %dma_start3A_75 : memref<1x128xi32, #tpu.memory_space<vmem>> -> memref<128xi32, #tpu.memory_space<vmem>>
            %dma_start3A_77 = arith.constant 0 : i32
            %dma_start3A_78 = arith.constant 0 : i32
            %dma_start3A_79 = tpu.memref_slice %arg11[%dma_start3A_77, %dma_start3A_78] : memref<10240x128xf32, #tpu.memory_space<vmem_shared>> -> memref<10240x128xf32, #tpu.memory_space<vmem_shared>>
            tpu.enqueue_indirect_dma source(%arg9 : memref<128x128xf32, #tpu.memory_space<vmem>>) target(%dma_start3A_79 : memref<10240x128xf32, #tpu.memory_space<vmem_shared>>) offsets(%dma_start3A_76 : memref<128xi32, #tpu.memory_space<vmem>>) semaphore(%run_scoped3A : memref<!tpu.dma_semaphore, #tpu.memory_space<semaphore_mem>>) {add = true}
            %dma_wait3A_80 = arith.constant 0 : i32
            %dma_wait3A_81 = tpu.memref_slice %arg8[%mul3A_50, %dma_wait3A_80] : memref<40x128xi32, #tpu.memory_space<vmem>> -> memref<1x128xi32, #tpu.memory_space<vmem>>
            %dma_wait3A_82 = tpu.memref_squeeze %dma_wait3A_81 : memref<1x128xi32, #tpu.memory_space<vmem>> -> memref<128xi32, #tpu.memory_space<vmem>>
            %dma_wait3A_83 = arith.constant 0 : i32
            %dma_wait3A_84 = arith.constant 0 : i32
            %dma_wait3A_85 = tpu.memref_slice %arg11[%dma_wait3A_83, %dma_wait3A_84] : memref<10240x128xf32, #tpu.memory_space<vmem_shared>> -> memref<10240x128xf32, #tpu.memory_space<vmem_shared>>
            tpu.wait_indirect_dma semaphore(%run_scoped3A : memref<!tpu.dma_semaphore, #tpu.memory_space<semaphore_mem>>) src(%arg9 : memref<128x128xf32, #tpu.memory_space<vmem>>) dst(%dma_wait3A_85 : memref<10240x128xf32, #tpu.memory_space<vmem_shared>>)
            tpu.yield
          }) : () -> ()
          %add3A_64 = arith.constant 2 : i32
          %add3A_65 = arith.addi %mul3A_50, %add3A_64 : i32
          %lt3A = arith.constant 40 : i32
          %lt3A_66 = arith.cmpi slt, %add3A_65, %lt3A : i32
          %convert_element_type3A = arith.extui %lt3A_66 : i1 to i32
          %cond3A = arith.constant 0 : i32
          %cond3A_67 = arith.cmpi ne, %convert_element_type3A, %cond3A : i32
          scf.if %cond3A_67 {
            %add3A_74 = arith.constant 2 : i32
            %add3A_75 = arith.addi %mul3A_50, %add3A_74 : i32
            %dma_start3A_76 = arith.constant 0 : i32
            %dma_start3A_77 = tpu.memref_slice %arg7[%add3A_75, %dma_start3A_76] : memref<40x128xi32, #tpu.memory_space<vmem>> -> memref<1x128xi32, #tpu.memory_space<vmem>>
            %dma_start3A_78 = tpu.memref_squeeze %dma_start3A_77 : memref<1x128xi32, #tpu.memory_space<vmem>> -> memref<128xi32, #tpu.memory_space<vmem>>
            %dma_start3A_79 = arith.constant 0 : i32
            %dma_start3A_80 = arith.constant 0 : i32
            %dma_start3A_81 = tpu.memref_slice %arg2[%dma_start3A_79, %dma_start3A_80] : memref<40960x128xf32, #tpu.memory_space<hbm>> -> memref<40960x128xf32, #tpu.memory_space<hbm>>
            tpu.enqueue_indirect_dma source(%dma_start3A_81 : memref<40960x128xf32, #tpu.memory_space<hbm>>) target(%arg9 : memref<128x128xf32, #tpu.memory_space<vmem>>) offsets(%dma_start3A_78 : memref<128xi32, #tpu.memory_space<vmem>>) semaphore(%arg12 : memref<!tpu.dma_semaphore, #tpu.memory_space<semaphore_mem>>)
          } else {
          }
          %dma_wait3A_68 = arith.constant 0 : i32
          %dma_wait3A_69 = tpu.memref_slice %arg7[%add3A_52, %dma_wait3A_68] : memref<40x128xi32, #tpu.memory_space<vmem>> -> memref<1x128xi32, #tpu.memory_space<vmem>>
          %dma_wait3A_70 = tpu.memref_squeeze %dma_wait3A_69 : memref<1x128xi32, #tpu.memory_space<vmem>> -> memref<128xi32, #tpu.memory_space<vmem>>
          %dma_wait3A_71 = arith.constant 0 : i32
          %dma_wait3A_72 = arith.constant 0 : i32
          %dma_wait3A_73 = tpu.memref_slice %arg2[%dma_wait3A_71, %dma_wait3A_72] : memref<40960x128xf32, #tpu.memory_space<hbm>> -> memref<40960x128xf32, #tpu.memory_space<hbm>>
          tpu.wait_indirect_dma semaphore(%arg13 : memref<!tpu.dma_semaphore, #tpu.memory_space<semaphore_mem>>) src(%dma_wait3A_73 : memref<40960x128xf32, #tpu.memory_space<hbm>>) dst(%arg10 : memref<128x128xf32, #tpu.memory_space<vmem>>)
          "tpu.region"() ({
            %run_scoped3A = tpu.sem_alloc : memref<!tpu.dma_semaphore, #tpu.memory_space<semaphore_mem>>
            %dma_start3A_74 = arith.constant 0 : i32
            %dma_start3A_75 = tpu.memref_slice %arg8[%add3A_52, %dma_start3A_74] : memref<40x128xi32, #tpu.memory_space<vmem>> -> memref<1x128xi32, #tpu.memory_space<vmem>>
            %dma_start3A_76 = tpu.memref_squeeze %dma_start3A_75 : memref<1x128xi32, #tpu.memory_space<vmem>> -> memref<128xi32, #tpu.memory_space<vmem>>
            %dma_start3A_77 = arith.constant 0 : i32
            %dma_start3A_78 = arith.constant 0 : i32
            %dma_start3A_79 = tpu.memref_slice %arg11[%dma_start3A_77, %dma_start3A_78] : memref<10240x128xf32, #tpu.memory_space<vmem_shared>> -> memref<10240x128xf32, #tpu.memory_space<vmem_shared>>
            tpu.enqueue_indirect_dma source(%arg10 : memref<128x128xf32, #tpu.memory_space<vmem>>) target(%dma_start3A_79 : memref<10240x128xf32, #tpu.memory_space<vmem_shared>>) offsets(%dma_start3A_76 : memref<128xi32, #tpu.memory_space<vmem>>) semaphore(%run_scoped3A : memref<!tpu.dma_semaphore, #tpu.memory_space<semaphore_mem>>) {add = true}
            %dma_wait3A_80 = arith.constant 0 : i32
            %dma_wait3A_81 = tpu.memref_slice %arg8[%add3A_52, %dma_wait3A_80] : memref<40x128xi32, #tpu.memory_space<vmem>> -> memref<1x128xi32, #tpu.memory_space<vmem>>
            %dma_wait3A_82 = tpu.memref_squeeze %dma_wait3A_81 : memref<1x128xi32, #tpu.memory_space<vmem>> -> memref<128xi32, #tpu.memory_space<vmem>>
            %dma_wait3A_83 = arith.constant 0 : i32
            %dma_wait3A_84 = arith.constant 0 : i32
            %dma_wait3A_85 = tpu.memref_slice %arg11[%dma_wait3A_83, %dma_wait3A_84] : memref<10240x128xf32, #tpu.memory_space<vmem_shared>> -> memref<10240x128xf32, #tpu.memory_space<vmem_shared>>
            tpu.wait_indirect_dma semaphore(%run_scoped3A : memref<!tpu.dma_semaphore, #tpu.memory_space<semaphore_mem>>) src(%arg10 : memref<128x128xf32, #tpu.memory_space<vmem>>) dst(%dma_wait3A_85 : memref<10240x128xf32, #tpu.memory_space<vmem_shared>>)
            tpu.yield
          }) : () -> ()
        }
        %scan3A_47 = arith.constant 20 : i32
      }
      %scan3A_16 = arith.constant 2 : i32
      %barrier3A_17 = arith.constant 0 : index
      tpu.barrier barrier_id(%barrier3A_17)
      %mul3A_18 = arith.constant 640 : i32
      %mul3A_19 = arith.muli %arg1, %mul3A_18 : i32
      %add3A_20 = arith.addi %mul3A_8, %mul3A_19 : i32
      "tpu.region"() ({
        %run_scoped3A = tpu.sem_alloc : memref<!tpu.dma_semaphore, #tpu.memory_space<semaphore_mem>>
        %dma_start3A = arith.constant 0 : i32
        %dma_start3A_22 = tpu.memref_slice %arg6[%add3A_20, %dma_start3A] : memref<40960x128xf32, #tpu.memory_space<hbm>> -> memref<640x128xf32, #tpu.memory_space<hbm>>
        %dma_start3A_23 = arith.constant 0 : i32
        %dma_start3A_24 = tpu.memref_slice %arg11[%mul3A_19, %dma_start3A_23] : memref<10240x128xf32, #tpu.memory_space<vmem_shared>> -> memref<640x128xf32, #tpu.memory_space<vmem_shared>>
        tpu.enqueue_dma source(%dma_start3A_24 : memref<640x128xf32, #tpu.memory_space<vmem_shared>>) target(%dma_start3A_22 : memref<640x128xf32, #tpu.memory_space<hbm>>) target_semaphore(%run_scoped3A : memref<!tpu.dma_semaphore, #tpu.memory_space<semaphore_mem>>)
        %dma_wait3A = arith.constant 0 : i32
        %dma_wait3A_25 = tpu.memref_slice %arg6[%add3A_20, %dma_wait3A] : memref<40960x128xf32, #tpu.memory_space<hbm>> -> memref<640x128xf32, #tpu.memory_space<hbm>>
        %dma_wait3A_26 = arith.constant 0 : i32
        %dma_wait3A_27 = tpu.memref_slice %arg11[%mul3A_19, %dma_wait3A_26] : memref<10240x128xf32, #tpu.memory_space<vmem_shared>> -> memref<640x128xf32, #tpu.memory_space<vmem_shared>>
        tpu.wait_dma2 semaphore(%run_scoped3A : memref<!tpu.dma_semaphore, #tpu.memory_space<semaphore_mem>>) src(%dma_wait3A_27 : memref<640x128xf32, #tpu.memory_space<vmem_shared>>) dst(%dma_wait3A_25 : memref<640x128xf32, #tpu.memory_space<hbm>>)
        tpu.yield
      }) : () -> ()
      %barrier3A_21 = arith.constant 0 : index
      tpu.barrier barrier_id(%barrier3A_21)
    }
    %scan3A_4 = arith.constant 2 : i32
    return
  }
}

module attributes {stable_mosaic.version = 14 : i64} {
  func.func @body(%arg0: i32, %arg1: memref<1xf32, #tpu.memory_space<smem>>, %arg2: memref<2x512x128xf32, #tpu.memory_space<vmem>>, %arg3: memref<2x512x128xf32, #tpu.memory_space<vmem>>, %arg4: memref<2x128x512xf32, #tpu.memory_space<vmem>>, %arg5: memref<1x512xf32, #tpu.memory_space<vmem>>, %arg6: memref<512x512xf32, #tpu.memory_space<vmem>>, %arg7: memref<1x512xf32, #tpu.memory_space<vmem>>, %arg8: memref<4x512x128xf32, #tpu.memory_space<vmem>>) attributes {dimension_semantics = [#tpu.dimension_semantics<arbitrary>], iteration_bounds = array<i64: 20>, scalar_prefetch = 0 : i64, scratch_operands = 0 : i64, tpu.core_type = #tpu.core_type<tc>, window_params = [{transform_indices = @transform_0, window_bounds = array<i64: 1>}, {transform_indices = @transform_1, window_bounds = array<i64: 2, 512, 128>}, {transform_indices = @transform_2, window_bounds = array<i64: 2, 512, 128>}, {pipeline_mode = #tpu.pipeline_mode<synchronous>, transform_indices = @transform_3, window_bounds = array<i64: 2, 128, 512>}, {pipeline_mode = #tpu.pipeline_mode<synchronous>, transform_indices = @transform_4, window_bounds = array<i64: 1, 512>}, {pipeline_mode = #tpu.pipeline_mode<synchronous>, transform_indices = @transform_5, window_bounds = array<i64: 512, 512>}, {pipeline_mode = #tpu.pipeline_mode<synchronous>, transform_indices = @transform_6, window_bounds = array<i64: 1, 512>}, {transform_indices = @transform_7, window_bounds = array<i64: 4, 512, 128>}]} {
    %get3A = arith.constant 0 : index
    %get3A_0 = memref.load %arg1[%get3A] : memref<1xf32, #tpu.memory_space<smem>>
    %broadcast_in_dim3A = arith.constant 0.000000e+00 : f32
    %broadcast_in_dim3A_1 = vector.broadcast %broadcast_in_dim3A : f32 to vector<512x512xf32>
    %get3A_2 = arith.constant 0 : index
    %get3A_3 = arith.constant 0 : index
    %get3A_4 = arith.constant 0 : index
    %get3A_5 = vector.load %arg2[%get3A_2, %get3A_3, %get3A_4] : memref<2x512x128xf32, #tpu.memory_space<vmem>>, vector<1x512x128xf32>
    %get3A_6 = vector.shape_cast %get3A_5 : vector<1x512x128xf32> to vector<512x128xf32>
    %get3A_7 = arith.constant 0 : index
    %get3A_8 = arith.constant 0 : index
    %get3A_9 = arith.constant 0 : index
    %get3A_10 = vector.load %arg3[%get3A_7, %get3A_8, %get3A_9] : memref<2x512x128xf32, #tpu.memory_space<vmem>>, vector<1x512x128xf32>
    %get3A_11 = vector.shape_cast %get3A_10 : vector<1x512x128xf32> to vector<512x128xf32>
    %mul3A = vector.broadcast %get3A_0 : f32 to vector<512x128xf32>
    %mul3A_12 = arith.mulf %mul3A, %get3A_11 : vector<512x128xf32>
    %add3A = arith.addf %get3A_6, %mul3A_12 : vector<512x128xf32>
    %get3A_13 = arith.constant 0 : index
    %get3A_14 = arith.constant 0 : index
    %get3A_15 = arith.constant 0 : index
    %get3A_16 = vector.load %arg4[%get3A_13, %get3A_14, %get3A_15] : memref<2x128x512xf32, #tpu.memory_space<vmem>>, vector<1x128x512xf32>
    %get3A_17 = vector.shape_cast %get3A_16 : vector<1x128x512xf32> to vector<128x512xf32>
    %dot_general3A = arith.constant dense<0.000000e+00> : vector<512x512xf32>
    %dot_general3A_18 = tpu.matmul %add3A, %get3A_17, %dot_general3A {dimension_numbers = #tpu.dot_dimension_numbers<[1], [0], [0], [1], [0, 0, 1, 1], [], []>, transpose_lhs_hint = false} : vector<512x128xf32>, vector<128x512xf32>, vector<512x512xf32> -> vector<512x512xf32>
    %add3A_19 = arith.addf %broadcast_in_dim3A_1, %dot_general3A_18 : vector<512x512xf32>
    %get3A_20 = arith.constant 1 : index
    %get3A_21 = arith.constant 0 : index
    %get3A_22 = arith.constant 0 : index
    %get3A_23 = vector.load %arg2[%get3A_20, %get3A_21, %get3A_22] : memref<2x512x128xf32, #tpu.memory_space<vmem>>, vector<1x512x128xf32>
    %get3A_24 = vector.shape_cast %get3A_23 : vector<1x512x128xf32> to vector<512x128xf32>
    %get3A_25 = arith.constant 1 : index
    %get3A_26 = arith.constant 0 : index
    %get3A_27 = arith.constant 0 : index
    %get3A_28 = vector.load %arg3[%get3A_25, %get3A_26, %get3A_27] : memref<2x512x128xf32, #tpu.memory_space<vmem>>, vector<1x512x128xf32>
    %get3A_29 = vector.shape_cast %get3A_28 : vector<1x512x128xf32> to vector<512x128xf32>
    %mul3A_30 = vector.broadcast %get3A_0 : f32 to vector<512x128xf32>
    %mul3A_31 = arith.mulf %mul3A_30, %get3A_29 : vector<512x128xf32>
    %add3A_32 = arith.addf %get3A_24, %mul3A_31 : vector<512x128xf32>
    %get3A_33 = arith.constant 1 : index
    %get3A_34 = arith.constant 0 : index
    %get3A_35 = arith.constant 0 : index
    %get3A_36 = vector.load %arg4[%get3A_33, %get3A_34, %get3A_35] : memref<2x128x512xf32, #tpu.memory_space<vmem>>, vector<1x128x512xf32>
    %get3A_37 = vector.shape_cast %get3A_36 : vector<1x128x512xf32> to vector<128x512xf32>
    %dot_general3A_38 = arith.constant dense<0.000000e+00> : vector<512x512xf32>
    %dot_general3A_39 = tpu.matmul %add3A_32, %get3A_37, %dot_general3A_38 {dimension_numbers = #tpu.dot_dimension_numbers<[1], [0], [0], [1], [0, 0, 1, 1], [], []>, transpose_lhs_hint = false} : vector<512x128xf32>, vector<128x512xf32>, vector<512x512xf32> -> vector<512x512xf32>
    %add3A_40 = arith.addf %add3A_19, %dot_general3A_39 : vector<512x512xf32>
    %get3A_41 = arith.constant 0 : index
    %get3A_42 = arith.constant 0 : index
    %get3A_43 = vector.load %arg5[%get3A_41, %get3A_42] : memref<1x512xf32, #tpu.memory_space<vmem>>, vector<1x512xf32>
    %add3A_44 = vector.broadcast %get3A_43 : vector<1x512xf32> to vector<512x512xf32>
    %add3A_45 = arith.addf %add3A_40, %add3A_44 : vector<512x512xf32>
    %max3A = arith.constant 0.000000e+00 : f32
    %max3A_46 = vector.broadcast %max3A : f32 to vector<512x512xf32>
    %max3A_47 = arith.maximumf %add3A_45, %max3A_46 : vector<512x512xf32>
    %get3A_48 = arith.constant 0 : index
    %get3A_49 = arith.constant 0 : index
    %get3A_50 = vector.load %arg6[%get3A_48, %get3A_49] : memref<512x512xf32, #tpu.memory_space<vmem>>, vector<512x512xf32>
    %dot_general3A_51 = arith.constant dense<0.000000e+00> : vector<512x512xf32>
    %dot_general3A_52 = tpu.matmul %max3A_47, %get3A_50, %dot_general3A_51 {dimension_numbers = #tpu.dot_dimension_numbers<[1], [0], [0], [1], [0, 0, 1, 1], [], []>, transpose_lhs_hint = false} : vector<512x512xf32>, vector<512x512xf32>, vector<512x512xf32> -> vector<512x512xf32>
    %get3A_53 = arith.constant 0 : index
    %get3A_54 = arith.constant 0 : index
    %get3A_55 = vector.load %arg7[%get3A_53, %get3A_54] : memref<1x512xf32, #tpu.memory_space<vmem>>, vector<1x512xf32>
    %add3A_56 = vector.broadcast %get3A_55 : vector<1x512xf32> to vector<512x512xf32>
    %add3A_57 = arith.addf %dot_general3A_52, %add3A_56 : vector<512x512xf32>
    %max3A_58 = arith.constant 0.000000e+00 : f32
    %max3A_59 = vector.broadcast %max3A_58 : f32 to vector<512x512xf32>
    %max3A_60 = arith.maximumf %add3A_57, %max3A_59 : vector<512x512xf32>
    %slice3A = vector.extract_strided_slice %max3A_60 {offsets = [0, 0], sizes = [512, 128], strides = [1, 1]} : vector<512x512xf32> to vector<512x128xf32>
    %swap3A = arith.constant 0 : index
    %swap3A_61 = arith.constant 0 : index
    %swap3A_62 = arith.constant 0 : index
    %swap3A_63 = vector.load %arg8[%swap3A, %swap3A_61, %swap3A_62] : memref<4x512x128xf32, #tpu.memory_space<vmem>>, vector<1x512x128xf32>
    %swap3A_64 = vector.shape_cast %swap3A_63 : vector<1x512x128xf32> to vector<512x128xf32>
    %swap3A_65 = vector.shape_cast %slice3A : vector<512x128xf32> to vector<1x512x128xf32>
    tpu.vector_store %arg8[%swap3A, %swap3A_61, %swap3A_62], %swap3A_65 {strides = array<i32>} : memref<4x512x128xf32, #tpu.memory_space<vmem>>, vector<1x512x128xf32>,
    %slice3A_66 = vector.extract_strided_slice %max3A_60 {offsets = [0, 128], sizes = [512, 128], strides = [1, 1]} : vector<512x512xf32> to vector<512x128xf32>
    %swap3A_67 = arith.constant 1 : index
    %swap3A_68 = arith.constant 0 : index
    %swap3A_69 = arith.constant 0 : index
    %swap3A_70 = vector.load %arg8[%swap3A_67, %swap3A_68, %swap3A_69] : memref<4x512x128xf32, #tpu.memory_space<vmem>>, vector<1x512x128xf32>
    %swap3A_71 = vector.shape_cast %swap3A_70 : vector<1x512x128xf32> to vector<512x128xf32>
    %swap3A_72 = vector.shape_cast %slice3A_66 : vector<512x128xf32> to vector<1x512x128xf32>
    tpu.vector_store %arg8[%swap3A_67, %swap3A_68, %swap3A_69], %swap3A_72 {strides = array<i32>} : memref<4x512x128xf32, #tpu.memory_space<vmem>>, vector<1x512x128xf32>,
    %slice3A_73 = vector.extract_strided_slice %max3A_60 {offsets = [0, 256], sizes = [512, 128], strides = [1, 1]} : vector<512x512xf32> to vector<512x128xf32>
    %swap3A_74 = arith.constant 2 : index
    %swap3A_75 = arith.constant 0 : index
    %swap3A_76 = arith.constant 0 : index
    %swap3A_77 = vector.load %arg8[%swap3A_74, %swap3A_75, %swap3A_76] : memref<4x512x128xf32, #tpu.memory_space<vmem>>, vector<1x512x128xf32>
    %swap3A_78 = vector.shape_cast %swap3A_77 : vector<1x512x128xf32> to vector<512x128xf32>
    %swap3A_79 = vector.shape_cast %slice3A_73 : vector<512x128xf32> to vector<1x512x128xf32>
    tpu.vector_store %arg8[%swap3A_74, %swap3A_75, %swap3A_76], %swap3A_79 {strides = array<i32>} : memref<4x512x128xf32, #tpu.memory_space<vmem>>, vector<1x512x128xf32>,
    %slice3A_80 = vector.extract_strided_slice %max3A_60 {offsets = [0, 384], sizes = [512, 128], strides = [1, 1]} : vector<512x512xf32> to vector<512x128xf32>
    %swap3A_81 = arith.constant 3 : index
    %swap3A_82 = arith.constant 0 : index
    %swap3A_83 = arith.constant 0 : index
    %swap3A_84 = vector.load %arg8[%swap3A_81, %swap3A_82, %swap3A_83] : memref<4x512x128xf32, #tpu.memory_space<vmem>>, vector<1x512x128xf32>
    %swap3A_85 = vector.shape_cast %swap3A_84 : vector<1x512x128xf32> to vector<512x128xf32>
    %swap3A_86 = vector.shape_cast %slice3A_80 : vector<512x128xf32> to vector<1x512x128xf32>
    tpu.vector_store %arg8[%swap3A_81, %swap3A_82, %swap3A_83], %swap3A_86 {strides = array<i32>} : memref<4x512x128xf32, #tpu.memory_space<vmem>>, vector<1x512x128xf32>,
    return
  }
  func.func @transform_0(%arg0: i32) -> i32 {
    %c0_i32 = arith.constant 0 : i32
    %c0_i32_0 = arith.constant 0 : i32
    return %c0_i32 : i32
  }
  func.func @transform_1(%arg0: i32) -> (i32, i32, i32) {
    %c0_i32 = arith.constant 0 : i32
    %c0_i32_0 = arith.constant 0 : i32
    %c0_i32_1 = arith.constant 0 : i32
    return %c0_i32, %arg0, %c0_i32_0 : i32, i32, i32
  }
  func.func @transform_2(%arg0: i32) -> (i32, i32, i32) {
    %c0_i32 = arith.constant 0 : i32
    %c0_i32_0 = arith.constant 0 : i32
    %c0_i32_1 = arith.constant 0 : i32
    return %c0_i32, %arg0, %c0_i32_0 : i32, i32, i32
  }
  func.func @transform_3(%arg0: i32) -> (i32, i32, i32) {
    %c0_i32 = arith.constant 0 : i32
    %c0_i32_0 = arith.constant 0 : i32
    %c0_i32_1 = arith.constant 0 : i32
    %c0_i32_2 = arith.constant 0 : i32
    return %c0_i32, %c0_i32_0, %c0_i32_1 : i32, i32, i32
  }
  func.func @transform_4(%arg0: i32) -> (i32, i32) {
    %c0_i32 = arith.constant 0 : i32
    %c0_i32_0 = arith.constant 0 : i32
    %c0_i32_1 = arith.constant 0 : i32
    return %c0_i32, %c0_i32_0 : i32, i32
  }
  func.func @transform_5(%arg0: i32) -> (i32, i32) {
    %c0_i32 = arith.constant 0 : i32
    %c0_i32_0 = arith.constant 0 : i32
    %c0_i32_1 = arith.constant 0 : i32
    return %c0_i32, %c0_i32_0 : i32, i32
  }
  func.func @transform_6(%arg0: i32) -> (i32, i32) {
    %c0_i32 = arith.constant 0 : i32
    %c0_i32_0 = arith.constant 0 : i32
    %c0_i32_1 = arith.constant 0 : i32
    return %c0_i32, %c0_i32_0 : i32, i32
  }
  func.func @transform_7(%arg0: i32) -> (i32, i32, i32) {
    %c0_i32 = arith.constant 0 : i32
    %c0_i32_0 = arith.constant 0 : i32
    %c0_i32_1 = arith.constant 0 : i32
    return %c0_i32, %arg0, %c0_i32_0 : i32, i32, i32
  }
}

module attributes {stable_mosaic.version = 14 : i64} {
  func.func @body(%arg0: i32, %arg1: memref<1xf32, #tpu.memory_space<smem>>, %arg2: memref<4x512x128xf32, #tpu.memory_space<vmem>>, %arg3: memref<4x512x128xf32, #tpu.memory_space<vmem>>, %arg4: memref<4x128x512xf32, #tpu.memory_space<vmem>>, %arg5: memref<1x512xf32, #tpu.memory_space<vmem>>, %arg6: memref<512x512xf32, #tpu.memory_space<vmem>>, %arg7: memref<1x512xf32, #tpu.memory_space<vmem>>, %arg8: memref<4x512x128xf32, #tpu.memory_space<vmem>>) attributes {dimension_semantics = [#tpu.dimension_semantics<arbitrary>], iteration_bounds = array<i64: 20>, scalar_prefetch = 0 : i64, scratch_operands = 0 : i64, tpu.core_type = #tpu.core_type<tc>, window_params = [{transform_indices = @transform_0, window_bounds = array<i64: 1>}, {transform_indices = @transform_1, window_bounds = array<i64: 4, 512, 128>}, {transform_indices = @transform_2, window_bounds = array<i64: 4, 512, 128>}, {pipeline_mode = #tpu.pipeline_mode<synchronous>, transform_indices = @transform_3, window_bounds = array<i64: 4, 128, 512>}, {pipeline_mode = #tpu.pipeline_mode<synchronous>, transform_indices = @transform_4, window_bounds = array<i64: 1, 512>}, {pipeline_mode = #tpu.pipeline_mode<synchronous>, transform_indices = @transform_5, window_bounds = array<i64: 512, 512>}, {pipeline_mode = #tpu.pipeline_mode<synchronous>, transform_indices = @transform_6, window_bounds = array<i64: 1, 512>}, {transform_indices = @transform_7, window_bounds = array<i64: 4, 512, 128>}]} {
    %get3A = arith.constant 0 : index
    %get3A_0 = memref.load %arg1[%get3A] : memref<1xf32, #tpu.memory_space<smem>>
    %broadcast_in_dim3A = arith.constant 0.000000e+00 : f32
    %broadcast_in_dim3A_1 = vector.broadcast %broadcast_in_dim3A : f32 to vector<512x512xf32>
    %get3A_2 = arith.constant 0 : index
    %get3A_3 = arith.constant 0 : index
    %get3A_4 = arith.constant 0 : index
    %get3A_5 = vector.load %arg2[%get3A_2, %get3A_3, %get3A_4] : memref<4x512x128xf32, #tpu.memory_space<vmem>>, vector<1x512x128xf32>
    %get3A_6 = vector.shape_cast %get3A_5 : vector<1x512x128xf32> to vector<512x128xf32>
    %get3A_7 = arith.constant 0 : index
    %get3A_8 = arith.constant 0 : index
    %get3A_9 = arith.constant 0 : index
    %get3A_10 = vector.load %arg3[%get3A_7, %get3A_8, %get3A_9] : memref<4x512x128xf32, #tpu.memory_space<vmem>>, vector<1x512x128xf32>
    %get3A_11 = vector.shape_cast %get3A_10 : vector<1x512x128xf32> to vector<512x128xf32>
    %mul3A = vector.broadcast %get3A_0 : f32 to vector<512x128xf32>
    %mul3A_12 = arith.mulf %mul3A, %get3A_11 : vector<512x128xf32>
    %add3A = arith.addf %get3A_6, %mul3A_12 : vector<512x128xf32>
    %get3A_13 = arith.constant 0 : index
    %get3A_14 = arith.constant 0 : index
    %get3A_15 = arith.constant 0 : index
    %get3A_16 = vector.load %arg4[%get3A_13, %get3A_14, %get3A_15] : memref<4x128x512xf32, #tpu.memory_space<vmem>>, vector<1x128x512xf32>
    %get3A_17 = vector.shape_cast %get3A_16 : vector<1x128x512xf32> to vector<128x512xf32>
    %dot_general3A = arith.constant dense<0.000000e+00> : vector<512x512xf32>
    %dot_general3A_18 = tpu.matmul %add3A, %get3A_17, %dot_general3A {dimension_numbers = #tpu.dot_dimension_numbers<[1], [0], [0], [1], [0, 0, 1, 1], [], []>, transpose_lhs_hint = false} : vector<512x128xf32>, vector<128x512xf32>, vector<512x512xf32> -> vector<512x512xf32>
    %add3A_19 = arith.addf %broadcast_in_dim3A_1, %dot_general3A_18 : vector<512x512xf32>
    %get3A_20 = arith.constant 1 : index
    %get3A_21 = arith.constant 0 : index
    %get3A_22 = arith.constant 0 : index
    %get3A_23 = vector.load %arg2[%get3A_20, %get3A_21, %get3A_22] : memref<4x512x128xf32, #tpu.memory_space<vmem>>, vector<1x512x128xf32>
    %get3A_24 = vector.shape_cast %get3A_23 : vector<1x512x128xf32> to vector<512x128xf32>
    %get3A_25 = arith.constant 1 : index
    %get3A_26 = arith.constant 0 : index
    %get3A_27 = arith.constant 0 : index
    %get3A_28 = vector.load %arg3[%get3A_25, %get3A_26, %get3A_27] : memref<4x512x128xf32, #tpu.memory_space<vmem>>, vector<1x512x128xf32>
    %get3A_29 = vector.shape_cast %get3A_28 : vector<1x512x128xf32> to vector<512x128xf32>
    %mul3A_30 = vector.broadcast %get3A_0 : f32 to vector<512x128xf32>
    %mul3A_31 = arith.mulf %mul3A_30, %get3A_29 : vector<512x128xf32>
    %add3A_32 = arith.addf %get3A_24, %mul3A_31 : vector<512x128xf32>
    %get3A_33 = arith.constant 1 : index
    %get3A_34 = arith.constant 0 : index
    %get3A_35 = arith.constant 0 : index
    %get3A_36 = vector.load %arg4[%get3A_33, %get3A_34, %get3A_35] : memref<4x128x512xf32, #tpu.memory_space<vmem>>, vector<1x128x512xf32>
    %get3A_37 = vector.shape_cast %get3A_36 : vector<1x128x512xf32> to vector<128x512xf32>
    %dot_general3A_38 = arith.constant dense<0.000000e+00> : vector<512x512xf32>
    %dot_general3A_39 = tpu.matmul %add3A_32, %get3A_37, %dot_general3A_38 {dimension_numbers = #tpu.dot_dimension_numbers<[1], [0], [0], [1], [0, 0, 1, 1], [], []>, transpose_lhs_hint = false} : vector<512x128xf32>, vector<128x512xf32>, vector<512x512xf32> -> vector<512x512xf32>
    %add3A_40 = arith.addf %add3A_19, %dot_general3A_39 : vector<512x512xf32>
    %get3A_41 = arith.constant 2 : index
    %get3A_42 = arith.constant 0 : index
    %get3A_43 = arith.constant 0 : index
    %get3A_44 = vector.load %arg2[%get3A_41, %get3A_42, %get3A_43] : memref<4x512x128xf32, #tpu.memory_space<vmem>>, vector<1x512x128xf32>
    %get3A_45 = vector.shape_cast %get3A_44 : vector<1x512x128xf32> to vector<512x128xf32>
    %get3A_46 = arith.constant 2 : index
    %get3A_47 = arith.constant 0 : index
    %get3A_48 = arith.constant 0 : index
    %get3A_49 = vector.load %arg3[%get3A_46, %get3A_47, %get3A_48] : memref<4x512x128xf32, #tpu.memory_space<vmem>>, vector<1x512x128xf32>
    %get3A_50 = vector.shape_cast %get3A_49 : vector<1x512x128xf32> to vector<512x128xf32>
    %mul3A_51 = vector.broadcast %get3A_0 : f32 to vector<512x128xf32>
    %mul3A_52 = arith.mulf %mul3A_51, %get3A_50 : vector<512x128xf32>
    %add3A_53 = arith.addf %get3A_45, %mul3A_52 : vector<512x128xf32>
    %get3A_54 = arith.constant 2 : index
    %get3A_55 = arith.constant 0 : index
    %get3A_56 = arith.constant 0 : index
    %get3A_57 = vector.load %arg4[%get3A_54, %get3A_55, %get3A_56] : memref<4x128x512xf32, #tpu.memory_space<vmem>>, vector<1x128x512xf32>
    %get3A_58 = vector.shape_cast %get3A_57 : vector<1x128x512xf32> to vector<128x512xf32>
    %dot_general3A_59 = arith.constant dense<0.000000e+00> : vector<512x512xf32>
    %dot_general3A_60 = tpu.matmul %add3A_53, %get3A_58, %dot_general3A_59 {dimension_numbers = #tpu.dot_dimension_numbers<[1], [0], [0], [1], [0, 0, 1, 1], [], []>, transpose_lhs_hint = false} : vector<512x128xf32>, vector<128x512xf32>, vector<512x512xf32> -> vector<512x512xf32>
    %add3A_61 = arith.addf %add3A_40, %dot_general3A_60 : vector<512x512xf32>
    %get3A_62 = arith.constant 3 : index
    %get3A_63 = arith.constant 0 : index
    %get3A_64 = arith.constant 0 : index
    %get3A_65 = vector.load %arg2[%get3A_62, %get3A_63, %get3A_64] : memref<4x512x128xf32, #tpu.memory_space<vmem>>, vector<1x512x128xf32>
    %get3A_66 = vector.shape_cast %get3A_65 : vector<1x512x128xf32> to vector<512x128xf32>
    %get3A_67 = arith.constant 3 : index
    %get3A_68 = arith.constant 0 : index
    %get3A_69 = arith.constant 0 : index
    %get3A_70 = vector.load %arg3[%get3A_67, %get3A_68, %get3A_69] : memref<4x512x128xf32, #tpu.memory_space<vmem>>, vector<1x512x128xf32>
    %get3A_71 = vector.shape_cast %get3A_70 : vector<1x512x128xf32> to vector<512x128xf32>
    %mul3A_72 = vector.broadcast %get3A_0 : f32 to vector<512x128xf32>
    %mul3A_73 = arith.mulf %mul3A_72, %get3A_71 : vector<512x128xf32>
    %add3A_74 = arith.addf %get3A_66, %mul3A_73 : vector<512x128xf32>
    %get3A_75 = arith.constant 3 : index
    %get3A_76 = arith.constant 0 : index
    %get3A_77 = arith.constant 0 : index
    %get3A_78 = vector.load %arg4[%get3A_75, %get3A_76, %get3A_77] : memref<4x128x512xf32, #tpu.memory_space<vmem>>, vector<1x128x512xf32>
    %get3A_79 = vector.shape_cast %get3A_78 : vector<1x128x512xf32> to vector<128x512xf32>
    %dot_general3A_80 = arith.constant dense<0.000000e+00> : vector<512x512xf32>
    %dot_general3A_81 = tpu.matmul %add3A_74, %get3A_79, %dot_general3A_80 {dimension_numbers = #tpu.dot_dimension_numbers<[1], [0], [0], [1], [0, 0, 1, 1], [], []>, transpose_lhs_hint = false} : vector<512x128xf32>, vector<128x512xf32>, vector<512x512xf32> -> vector<512x512xf32>
    %add3A_82 = arith.addf %add3A_61, %dot_general3A_81 : vector<512x512xf32>
    %get3A_83 = arith.constant 0 : index
    %get3A_84 = arith.constant 0 : index
    %get3A_85 = vector.load %arg5[%get3A_83, %get3A_84] : memref<1x512xf32, #tpu.memory_space<vmem>>, vector<1x512xf32>
    %add3A_86 = vector.broadcast %get3A_85 : vector<1x512xf32> to vector<512x512xf32>
    %add3A_87 = arith.addf %add3A_82, %add3A_86 : vector<512x512xf32>
    %max3A = arith.constant 0.000000e+00 : f32
    %max3A_88 = vector.broadcast %max3A : f32 to vector<512x512xf32>
    %max3A_89 = arith.maximumf %add3A_87, %max3A_88 : vector<512x512xf32>
    %get3A_90 = arith.constant 0 : index
    %get3A_91 = arith.constant 0 : index
    %get3A_92 = vector.load %arg6[%get3A_90, %get3A_91] : memref<512x512xf32, #tpu.memory_space<vmem>>, vector<512x512xf32>
    %dot_general3A_93 = arith.constant dense<0.000000e+00> : vector<512x512xf32>
    %dot_general3A_94 = tpu.matmul %max3A_89, %get3A_92, %dot_general3A_93 {dimension_numbers = #tpu.dot_dimension_numbers<[1], [0], [0], [1], [0, 0, 1, 1], [], []>, transpose_lhs_hint = false} : vector<512x512xf32>, vector<512x512xf32>, vector<512x512xf32> -> vector<512x512xf32>
    %get3A_95 = arith.constant 0 : index
    %get3A_96 = arith.constant 0 : index
    %get3A_97 = vector.load %arg7[%get3A_95, %get3A_96] : memref<1x512xf32, #tpu.memory_space<vmem>>, vector<1x512xf32>
    %add3A_98 = vector.broadcast %get3A_97 : vector<1x512xf32> to vector<512x512xf32>
    %add3A_99 = arith.addf %dot_general3A_94, %add3A_98 : vector<512x512xf32>
    %max3A_100 = arith.constant 0.000000e+00 : f32
    %max3A_101 = vector.broadcast %max3A_100 : f32 to vector<512x512xf32>
    %max3A_102 = arith.maximumf %add3A_99, %max3A_101 : vector<512x512xf32>
    %slice3A = vector.extract_strided_slice %max3A_102 {offsets = [0, 0], sizes = [512, 128], strides = [1, 1]} : vector<512x512xf32> to vector<512x128xf32>
    %swap3A = arith.constant 0 : index
    %swap3A_103 = arith.constant 0 : index
    %swap3A_104 = arith.constant 0 : index
    %swap3A_105 = vector.load %arg8[%swap3A, %swap3A_103, %swap3A_104] : memref<4x512x128xf32, #tpu.memory_space<vmem>>, vector<1x512x128xf32>
    %swap3A_106 = vector.shape_cast %swap3A_105 : vector<1x512x128xf32> to vector<512x128xf32>
    %swap3A_107 = vector.shape_cast %slice3A : vector<512x128xf32> to vector<1x512x128xf32>
    tpu.vector_store %arg8[%swap3A, %swap3A_103, %swap3A_104], %swap3A_107 {strides = array<i32>} : memref<4x512x128xf32, #tpu.memory_space<vmem>>, vector<1x512x128xf32>,
    %slice3A_108 = vector.extract_strided_slice %max3A_102 {offsets = [0, 128], sizes = [512, 128], strides = [1, 1]} : vector<512x512xf32> to vector<512x128xf32>
    %swap3A_109 = arith.constant 1 : index
    %swap3A_110 = arith.constant 0 : index
    %swap3A_111 = arith.constant 0 : index
    %swap3A_112 = vector.load %arg8[%swap3A_109, %swap3A_110, %swap3A_111] : memref<4x512x128xf32, #tpu.memory_space<vmem>>, vector<1x512x128xf32>
    %swap3A_113 = vector.shape_cast %swap3A_112 : vector<1x512x128xf32> to vector<512x128xf32>
    %swap3A_114 = vector.shape_cast %slice3A_108 : vector<512x128xf32> to vector<1x512x128xf32>
    tpu.vector_store %arg8[%swap3A_109, %swap3A_110, %swap3A_111], %swap3A_114 {strides = array<i32>} : memref<4x512x128xf32, #tpu.memory_space<vmem>>, vector<1x512x128xf32>,
    %slice3A_115 = vector.extract_strided_slice %max3A_102 {offsets = [0, 256], sizes = [512, 128], strides = [1, 1]} : vector<512x512xf32> to vector<512x128xf32>
    %swap3A_116 = arith.constant 2 : index
    %swap3A_117 = arith.constant 0 : index
    %swap3A_118 = arith.constant 0 : index
    %swap3A_119 = vector.load %arg8[%swap3A_116, %swap3A_117, %swap3A_118] : memref<4x512x128xf32, #tpu.memory_space<vmem>>, vector<1x512x128xf32>
    %swap3A_120 = vector.shape_cast %swap3A_119 : vector<1x512x128xf32> to vector<512x128xf32>
    %swap3A_121 = vector.shape_cast %slice3A_115 : vector<512x128xf32> to vector<1x512x128xf32>
    tpu.vector_store %arg8[%swap3A_116, %swap3A_117, %swap3A_118], %swap3A_121 {strides = array<i32>} : memref<4x512x128xf32, #tpu.memory_space<vmem>>, vector<1x512x128xf32>,
    %slice3A_122 = vector.extract_strided_slice %max3A_102 {offsets = [0, 384], sizes = [512, 128], strides = [1, 1]} : vector<512x512xf32> to vector<512x128xf32>
    %swap3A_123 = arith.constant 3 : index
    %swap3A_124 = arith.constant 0 : index
    %swap3A_125 = arith.constant 0 : index
    %swap3A_126 = vector.load %arg8[%swap3A_123, %swap3A_124, %swap3A_125] : memref<4x512x128xf32, #tpu.memory_space<vmem>>, vector<1x512x128xf32>
    %swap3A_127 = vector.shape_cast %swap3A_126 : vector<1x512x128xf32> to vector<512x128xf32>
    %swap3A_128 = vector.shape_cast %slice3A_122 : vector<512x128xf32> to vector<1x512x128xf32>
    tpu.vector_store %arg8[%swap3A_123, %swap3A_124, %swap3A_125], %swap3A_128 {strides = array<i32>} : memref<4x512x128xf32, #tpu.memory_space<vmem>>, vector<1x512x128xf32>,
    return
  }
  func.func @transform_0(%arg0: i32) -> i32 {
    %c0_i32 = arith.constant 0 : i32
    %c0_i32_0 = arith.constant 0 : i32
    return %c0_i32 : i32
  }
  func.func @transform_1(%arg0: i32) -> (i32, i32, i32) {
    %c0_i32 = arith.constant 0 : i32
    %c0_i32_0 = arith.constant 0 : i32
    %c0_i32_1 = arith.constant 0 : i32
    return %c0_i32, %arg0, %c0_i32_0 : i32, i32, i32
  }
  func.func @transform_2(%arg0: i32) -> (i32, i32, i32) {
    %c0_i32 = arith.constant 0 : i32
    %c0_i32_0 = arith.constant 0 : i32
    %c0_i32_1 = arith.constant 0 : i32
    return %c0_i32, %arg0, %c0_i32_0 : i32, i32, i32
  }
  func.func @transform_3(%arg0: i32) -> (i32, i32, i32) {
    %c0_i32 = arith.constant 0 : i32
    %c0_i32_0 = arith.constant 0 : i32
    %c0_i32_1 = arith.constant 0 : i32
    %c0_i32_2 = arith.constant 0 : i32
    return %c0_i32, %c0_i32_0, %c0_i32_1 : i32, i32, i32
  }
  func.func @transform_4(%arg0: i32) -> (i32, i32) {
    %c0_i32 = arith.constant 0 : i32
    %c0_i32_0 = arith.constant 0 : i32
    %c0_i32_1 = arith.constant 0 : i32
    return %c0_i32, %c0_i32_0 : i32, i32
  }
  func.func @transform_5(%arg0: i32) -> (i32, i32) {
    %c0_i32 = arith.constant 0 : i32
    %c0_i32_0 = arith.constant 0 : i32
    %c0_i32_1 = arith.constant 0 : i32
    return %c0_i32, %c0_i32_0 : i32, i32
  }
  func.func @transform_6(%arg0: i32) -> (i32, i32) {
    %c0_i32 = arith.constant 0 : i32
    %c0_i32_0 = arith.constant 0 : i32
    %c0_i32_1 = arith.constant 0 : i32
    return %c0_i32, %c0_i32_0 : i32, i32
  }
  func.func @transform_7(%arg0: i32) -> (i32, i32, i32) {
    %c0_i32 = arith.constant 0 : i32
    %c0_i32_0 = arith.constant 0 : i32
    %c0_i32_1 = arith.constant 0 : i32
    return %c0_i32, %arg0, %c0_i32_0 : i32, i32, i32
  }
}

module attributes {stable_mosaic.version = 14 : i64} {
  func.func @body(%arg0: i32, %arg1: memref<1xf32, #tpu.memory_space<smem>>, %arg2: memref<4x512x128xf32, #tpu.memory_space<vmem>>, %arg3: memref<4x512x128xf32, #tpu.memory_space<vmem>>, %arg4: memref<4x128x128xf32, #tpu.memory_space<vmem>>, %arg5: memref<1x128xf32, #tpu.memory_space<vmem>>, %arg6: memref<128x128xf32, #tpu.memory_space<vmem>>, %arg7: memref<1x128xf32, #tpu.memory_space<vmem>>, %arg8: memref<1x512x128xf32, #tpu.memory_space<vmem>>) attributes {dimension_semantics = [#tpu.dimension_semantics<arbitrary>], iteration_bounds = array<i64: 20>, scalar_prefetch = 0 : i64, scratch_operands = 0 : i64, tpu.core_type = #tpu.core_type<tc>, window_params = [{transform_indices = @transform_0, window_bounds = array<i64: 1>}, {transform_indices = @transform_1, window_bounds = array<i64: 4, 512, 128>}, {transform_indices = @transform_2, window_bounds = array<i64: 4, 512, 128>}, {pipeline_mode = #tpu.pipeline_mode<synchronous>, transform_indices = @transform_3, window_bounds = array<i64: 4, 128, 128>}, {pipeline_mode = #tpu.pipeline_mode<synchronous>, transform_indices = @transform_4, window_bounds = array<i64: 1, 128>}, {pipeline_mode = #tpu.pipeline_mode<synchronous>, transform_indices = @transform_5, window_bounds = array<i64: 128, 128>}, {pipeline_mode = #tpu.pipeline_mode<synchronous>, transform_indices = @transform_6, window_bounds = array<i64: 1, 128>}, {transform_indices = @transform_7, window_bounds = array<i64: 1, 512, 128>}]} {
    %get3A = arith.constant 0 : index
    %get3A_0 = memref.load %arg1[%get3A] : memref<1xf32, #tpu.memory_space<smem>>
    %broadcast_in_dim3A = arith.constant 0.000000e+00 : f32
    %broadcast_in_dim3A_1 = vector.broadcast %broadcast_in_dim3A : f32 to vector<512x128xf32>
    %get3A_2 = arith.constant 0 : index
    %get3A_3 = arith.constant 0 : index
    %get3A_4 = arith.constant 0 : index
    %get3A_5 = vector.load %arg2[%get3A_2, %get3A_3, %get3A_4] : memref<4x512x128xf32, #tpu.memory_space<vmem>>, vector<1x512x128xf32>
    %get3A_6 = vector.shape_cast %get3A_5 : vector<1x512x128xf32> to vector<512x128xf32>
    %get3A_7 = arith.constant 0 : index
    %get3A_8 = arith.constant 0 : index
    %get3A_9 = arith.constant 0 : index
    %get3A_10 = vector.load %arg3[%get3A_7, %get3A_8, %get3A_9] : memref<4x512x128xf32, #tpu.memory_space<vmem>>, vector<1x512x128xf32>
    %get3A_11 = vector.shape_cast %get3A_10 : vector<1x512x128xf32> to vector<512x128xf32>
    %mul3A = vector.broadcast %get3A_0 : f32 to vector<512x128xf32>
    %mul3A_12 = arith.mulf %mul3A, %get3A_11 : vector<512x128xf32>
    %add3A = arith.addf %get3A_6, %mul3A_12 : vector<512x128xf32>
    %get3A_13 = arith.constant 0 : index
    %get3A_14 = arith.constant 0 : index
    %get3A_15 = arith.constant 0 : index
    %get3A_16 = vector.load %arg4[%get3A_13, %get3A_14, %get3A_15] : memref<4x128x128xf32, #tpu.memory_space<vmem>>, vector<1x128x128xf32>
    %get3A_17 = vector.shape_cast %get3A_16 : vector<1x128x128xf32> to vector<128x128xf32>
    %dot_general3A = arith.constant dense<0.000000e+00> : vector<512x128xf32>
    %dot_general3A_18 = tpu.matmul %add3A, %get3A_17, %dot_general3A {dimension_numbers = #tpu.dot_dimension_numbers<[1], [0], [0], [1], [0, 0, 1, 1], [], []>, transpose_lhs_hint = false} : vector<512x128xf32>, vector<128x128xf32>, vector<512x128xf32> -> vector<512x128xf32>
    %add3A_19 = arith.addf %broadcast_in_dim3A_1, %dot_general3A_18 : vector<512x128xf32>
    %get3A_20 = arith.constant 1 : index
    %get3A_21 = arith.constant 0 : index
    %get3A_22 = arith.constant 0 : index
    %get3A_23 = vector.load %arg2[%get3A_20, %get3A_21, %get3A_22] : memref<4x512x128xf32, #tpu.memory_space<vmem>>, vector<1x512x128xf32>
    %get3A_24 = vector.shape_cast %get3A_23 : vector<1x512x128xf32> to vector<512x128xf32>
    %get3A_25 = arith.constant 1 : index
    %get3A_26 = arith.constant 0 : index
    %get3A_27 = arith.constant 0 : index
    %get3A_28 = vector.load %arg3[%get3A_25, %get3A_26, %get3A_27] : memref<4x512x128xf32, #tpu.memory_space<vmem>>, vector<1x512x128xf32>
    %get3A_29 = vector.shape_cast %get3A_28 : vector<1x512x128xf32> to vector<512x128xf32>
    %mul3A_30 = vector.broadcast %get3A_0 : f32 to vector<512x128xf32>
    %mul3A_31 = arith.mulf %mul3A_30, %get3A_29 : vector<512x128xf32>
    %add3A_32 = arith.addf %get3A_24, %mul3A_31 : vector<512x128xf32>
    %get3A_33 = arith.constant 1 : index
    %get3A_34 = arith.constant 0 : index
    %get3A_35 = arith.constant 0 : index
    %get3A_36 = vector.load %arg4[%get3A_33, %get3A_34, %get3A_35] : memref<4x128x128xf32, #tpu.memory_space<vmem>>, vector<1x128x128xf32>
    %get3A_37 = vector.shape_cast %get3A_36 : vector<1x128x128xf32> to vector<128x128xf32>
    %dot_general3A_38 = arith.constant dense<0.000000e+00> : vector<512x128xf32>
    %dot_general3A_39 = tpu.matmul %add3A_32, %get3A_37, %dot_general3A_38 {dimension_numbers = #tpu.dot_dimension_numbers<[1], [0], [0], [1], [0, 0, 1, 1], [], []>, transpose_lhs_hint = false} : vector<512x128xf32>, vector<128x128xf32>, vector<512x128xf32> -> vector<512x128xf32>
    %add3A_40 = arith.addf %add3A_19, %dot_general3A_39 : vector<512x128xf32>
    %get3A_41 = arith.constant 2 : index
    %get3A_42 = arith.constant 0 : index
    %get3A_43 = arith.constant 0 : index
    %get3A_44 = vector.load %arg2[%get3A_41, %get3A_42, %get3A_43] : memref<4x512x128xf32, #tpu.memory_space<vmem>>, vector<1x512x128xf32>
    %get3A_45 = vector.shape_cast %get3A_44 : vector<1x512x128xf32> to vector<512x128xf32>
    %get3A_46 = arith.constant 2 : index
    %get3A_47 = arith.constant 0 : index
    %get3A_48 = arith.constant 0 : index
    %get3A_49 = vector.load %arg3[%get3A_46, %get3A_47, %get3A_48] : memref<4x512x128xf32, #tpu.memory_space<vmem>>, vector<1x512x128xf32>
    %get3A_50 = vector.shape_cast %get3A_49 : vector<1x512x128xf32> to vector<512x128xf32>
    %mul3A_51 = vector.broadcast %get3A_0 : f32 to vector<512x128xf32>
    %mul3A_52 = arith.mulf %mul3A_51, %get3A_50 : vector<512x128xf32>
    %add3A_53 = arith.addf %get3A_45, %mul3A_52 : vector<512x128xf32>
    %get3A_54 = arith.constant 2 : index
    %get3A_55 = arith.constant 0 : index
    %get3A_56 = arith.constant 0 : index
    %get3A_57 = vector.load %arg4[%get3A_54, %get3A_55, %get3A_56] : memref<4x128x128xf32, #tpu.memory_space<vmem>>, vector<1x128x128xf32>
    %get3A_58 = vector.shape_cast %get3A_57 : vector<1x128x128xf32> to vector<128x128xf32>
    %dot_general3A_59 = arith.constant dense<0.000000e+00> : vector<512x128xf32>
    %dot_general3A_60 = tpu.matmul %add3A_53, %get3A_58, %dot_general3A_59 {dimension_numbers = #tpu.dot_dimension_numbers<[1], [0], [0], [1], [0, 0, 1, 1], [], []>, transpose_lhs_hint = false} : vector<512x128xf32>, vector<128x128xf32>, vector<512x128xf32> -> vector<512x128xf32>
    %add3A_61 = arith.addf %add3A_40, %dot_general3A_60 : vector<512x128xf32>
    %get3A_62 = arith.constant 3 : index
    %get3A_63 = arith.constant 0 : index
    %get3A_64 = arith.constant 0 : index
    %get3A_65 = vector.load %arg2[%get3A_62, %get3A_63, %get3A_64] : memref<4x512x128xf32, #tpu.memory_space<vmem>>, vector<1x512x128xf32>
    %get3A_66 = vector.shape_cast %get3A_65 : vector<1x512x128xf32> to vector<512x128xf32>
    %get3A_67 = arith.constant 3 : index
    %get3A_68 = arith.constant 0 : index
    %get3A_69 = arith.constant 0 : index
    %get3A_70 = vector.load %arg3[%get3A_67, %get3A_68, %get3A_69] : memref<4x512x128xf32, #tpu.memory_space<vmem>>, vector<1x512x128xf32>
    %get3A_71 = vector.shape_cast %get3A_70 : vector<1x512x128xf32> to vector<512x128xf32>
    %mul3A_72 = vector.broadcast %get3A_0 : f32 to vector<512x128xf32>
    %mul3A_73 = arith.mulf %mul3A_72, %get3A_71 : vector<512x128xf32>
    %add3A_74 = arith.addf %get3A_66, %mul3A_73 : vector<512x128xf32>
    %get3A_75 = arith.constant 3 : index
    %get3A_76 = arith.constant 0 : index
    %get3A_77 = arith.constant 0 : index
    %get3A_78 = vector.load %arg4[%get3A_75, %get3A_76, %get3A_77] : memref<4x128x128xf32, #tpu.memory_space<vmem>>, vector<1x128x128xf32>
    %get3A_79 = vector.shape_cast %get3A_78 : vector<1x128x128xf32> to vector<128x128xf32>
    %dot_general3A_80 = arith.constant dense<0.000000e+00> : vector<512x128xf32>
    %dot_general3A_81 = tpu.matmul %add3A_74, %get3A_79, %dot_general3A_80 {dimension_numbers = #tpu.dot_dimension_numbers<[1], [0], [0], [1], [0, 0, 1, 1], [], []>, transpose_lhs_hint = false} : vector<512x128xf32>, vector<128x128xf32>, vector<512x128xf32> -> vector<512x128xf32>
    %add3A_82 = arith.addf %add3A_61, %dot_general3A_81 : vector<512x128xf32>
    %get3A_83 = arith.constant 0 : index
    %get3A_84 = arith.constant 0 : index
    %get3A_85 = vector.load %arg5[%get3A_83, %get3A_84] : memref<1x128xf32, #tpu.memory_space<vmem>>, vector<1x128xf32>
    %add3A_86 = vector.broadcast %get3A_85 : vector<1x128xf32> to vector<512x128xf32>
    %add3A_87 = arith.addf %add3A_82, %add3A_86 : vector<512x128xf32>
    %max3A = arith.constant 0.000000e+00 : f32
    %max3A_88 = vector.broadcast %max3A : f32 to vector<512x128xf32>
    %max3A_89 = arith.maximumf %add3A_87, %max3A_88 : vector<512x128xf32>
    %get3A_90 = arith.constant 0 : index
    %get3A_91 = arith.constant 0 : index
    %get3A_92 = vector.load %arg6[%get3A_90, %get3A_91] : memref<128x128xf32, #tpu.memory_space<vmem>>, vector<128x128xf32>
    %dot_general3A_93 = arith.constant dense<0.000000e+00> : vector<512x128xf32>
    %dot_general3A_94 = tpu.matmul %max3A_89, %get3A_92, %dot_general3A_93 {dimension_numbers = #tpu.dot_dimension_numbers<[1], [0], [0], [1], [0, 0, 1, 1], [], []>, transpose_lhs_hint = false} : vector<512x128xf32>, vector<128x128xf32>, vector<512x128xf32> -> vector<512x128xf32>
    %get3A_95 = arith.constant 0 : index
    %get3A_96 = arith.constant 0 : index
    %get3A_97 = vector.load %arg7[%get3A_95, %get3A_96] : memref<1x128xf32, #tpu.memory_space<vmem>>, vector<1x128xf32>
    %add3A_98 = vector.broadcast %get3A_97 : vector<1x128xf32> to vector<512x128xf32>
    %add3A_99 = arith.addf %dot_general3A_94, %add3A_98 : vector<512x128xf32>
    %swap3A = arith.constant 0 : index
    %swap3A_100 = arith.constant 0 : index
    %swap3A_101 = arith.constant 0 : index
    %swap3A_102 = vector.load %arg8[%swap3A, %swap3A_100, %swap3A_101] : memref<1x512x128xf32, #tpu.memory_space<vmem>>, vector<1x512x128xf32>
    %swap3A_103 = vector.shape_cast %swap3A_102 : vector<1x512x128xf32> to vector<512x128xf32>
    %swap3A_104 = vector.shape_cast %add3A_99 : vector<512x128xf32> to vector<1x512x128xf32>
    tpu.vector_store %arg8[%swap3A, %swap3A_100, %swap3A_101], %swap3A_104 {strides = array<i32>} : memref<1x512x128xf32, #tpu.memory_space<vmem>>, vector<1x512x128xf32>,
    return
  }
  func.func @transform_0(%arg0: i32) -> i32 {
    %c0_i32 = arith.constant 0 : i32
    %c0_i32_0 = arith.constant 0 : i32
    return %c0_i32 : i32
  }
  func.func @transform_1(%arg0: i32) -> (i32, i32, i32) {
    %c0_i32 = arith.constant 0 : i32
    %c0_i32_0 = arith.constant 0 : i32
    %c0_i32_1 = arith.constant 0 : i32
    return %c0_i32, %arg0, %c0_i32_0 : i32, i32, i32
  }
  func.func @transform_2(%arg0: i32) -> (i32, i32, i32) {
    %c0_i32 = arith.constant 0 : i32
    %c0_i32_0 = arith.constant 0 : i32
    %c0_i32_1 = arith.constant 0 : i32
    return %c0_i32, %arg0, %c0_i32_0 : i32, i32, i32
  }
  func.func @transform_3(%arg0: i32) -> (i32, i32, i32) {
    %c0_i32 = arith.constant 0 : i32
    %c0_i32_0 = arith.constant 0 : i32
    %c0_i32_1 = arith.constant 0 : i32
    %c0_i32_2 = arith.constant 0 : i32
    return %c0_i32, %c0_i32_0, %c0_i32_1 : i32, i32, i32
  }
  func.func @transform_4(%arg0: i32) -> (i32, i32) {
    %c0_i32 = arith.constant 0 : i32
    %c0_i32_0 = arith.constant 0 : i32
    %c0_i32_1 = arith.constant 0 : i32
    return %c0_i32, %c0_i32_0 : i32, i32
  }
  func.func @transform_5(%arg0: i32) -> (i32, i32) {
    %c0_i32 = arith.constant 0 : i32
    %c0_i32_0 = arith.constant 0 : i32
    %c0_i32_1 = arith.constant 0 : i32
    return %c0_i32, %c0_i32_0 : i32, i32
  }
  func.func @transform_6(%arg0: i32) -> (i32, i32) {
    %c0_i32 = arith.constant 0 : i32
    %c0_i32_0 = arith.constant 0 : i32
    %c0_i32_1 = arith.constant 0 : i32
    return %c0_i32, %c0_i32_0 : i32, i32
  }
  func.func @transform_7(%arg0: i32) -> (i32, i32, i32) {
    %c0_i32 = arith.constant 0 : i32
    %c0_i32_0 = arith.constant 0 : i32
    %c0_i32_1 = arith.constant 0 : i32
    return %c0_i32, %arg0, %c0_i32_0 : i32, i32, i32
  }
}

</mosaic_0001>

<sc_bundles>
// kernel: kernel.11.cloned.1.call-start
scs
__scs_entry_jumppad:
0x0: {  	(pc) =	sbr.rel $0x88, $3  }
0x1: {  	(tag) =	ssettag $0x0;
	lr =	simm.s32 $0x1  }
0x2: {  	[smem:$0x3F92] =	sst lr;
	_ =	strace $0xD0000000  }
0x3: {  	_ = 	snop  }
0x4: {  	_ = 	snop  }
0x5: {  	_ = 	snop  }
0x6: {  	_ = 	snop  }
0x7: {  	_ = 	snop  }
__scs_overlays_trampoline_lowered:
0x8: {  	[smem:$0x3FA1] =	sst s0  }
0x9: {  	[smem:$0x3FA2] =	sst s1  }
0xa: {  	[smem:$0x3FA3] =	sst s2  }
0xb: {  	[smem:$0x3FA4] =	sst s3  }
0xc: {  	[smem:$0x3FA5] =	sst s4  }
0xd: {  	[smem:$0x3FA6] =	sst s5  }
0xe: {  	[smem:$0x3FA7] =	sst s6  }
0xf: {  	[smem:$0x3FA8] =	sst s7  }
0x10: {  	[smem:$0x3FA9] =	sst s8  }
0x11: {  	[smem:$0x3FAA] =	sst s9;
	s0 =	simm.s32 @!p0 $0x0  }
0x12: {  	s1 =	sld [smem:$0x3F90];
	s0 =	simm.s32 @p0 $0x1  }
0x13: {  	[smem:$0x3FAB] =	sst s0;
	s0 =	simm.s32 @!p1 $0x0  }
0x14: {  	s2 =	sld [smem:$0x3F8F];
	s0 =	simm.s32 @p1 $0x1  }
0x15: {  	[smem:$0x3FAC] =	sst s0;
	s0 =	simm.s32 @!p2 $0x0  }
0x16: {  	s3 =	sld [smem:$0x3FDB];
	s0 =	simm.s32 @p2 $0x1  }
0x17: {  	s4 =	simm.s32 $0x1BF5;
	[smem:$0x3FAE] =	sst s0  }
0x18: {  	s0 =	sld [smem:$0x3F91];
	_ =	swait.ge [sflag:s4], $0x0  }
0x19: {  	s7 =	sld [smem:$0x3F92]  }
0x1a: {  	s8 =	sadd.s32 $0xFFFFE003, lr  }
0x1b: {  	s9 =	sadd.s32 $0xFFFFFEF7, lr;
	s5 =	simm.s32 $0xFFFFFFFF;
	p2 =	slt.u32 s8, $0xFFFFF086  }
0x1c: {  	p1 =	slt.u32 s9, $0xF7A;
	s5 =	simm.s32 @!p2 $0x0  }
0x1d: {  	s5 =	simm.s32 @p1 $0x1;
	p0 =	seq.s32 s7, s2  }
0x1e: {  	s7 =	smul.u32 @!p0 $0xF7A, s2;
	p2 =	seq.s32 @!p0 s5, $0x0  }
0x1f: {  	s9 =	smul.u32 $0xF7A, s1;
	s8 =	simm.s32 @!p0 $0x1BF5;
	p2 =	por !p2, p0  }
0x20: {  	[sflag:s8] =	ssyncset.s32 @!p0 $0xFFFFF086;
	s6 =	sadd.s32 @!p0 s3, s7;
	s7 =	simm.s32 @!p0 $0x108  }
0x21: {  	s3 =	sadd.s32 s3, s9;
	s6 =	sadd.s32 @!p0 $0x88, s6;
	s7 =	simm.s32 @p2 $0x1082  }
0x22: {  	[simem:s7], [sflag:s8] =	dma.local @!p0 [hbm:s6], $0xF7A  }
0x23: {  	s9 =	sor.u32 $0xD0000000, s2;
	s6 =	simm.s32 $0x108;
	_ =	swait.ge @!p0 [sflag:s8], $0x0  }
0x24: {  	s3 =	sadd.s32 $0x88, s3;
	s6 =	simm.s32 @!p1 $0x1082;
	[sflag:s4] =	ssyncset.s32 $0xFFFFF086  }
0x25: {  	[simem:s6], [sflag:s4] =	dma.local [hbm:s3], $0xF7A  }
0x26: {  	[smem:$0x3F92] =	sst s1;
	(tag) =	ssettag s2;
	_ =	strace s9  }
0x27: {  	s1 =	sld [smem:$0x3FA2]  }
0x28: {  	s2 =	sld [smem:$0x3FA3]  }
0x29: {  	s4 =	sld [smem:$0x3FA5]  }
0x2a: {  	p0 =	seq.s32 s5, $0x0;
	s5 =	sld [smem:$0x3FA6]  }
0x2b: {  	s6 =	sld [smem:$0x3FA7]  }
0x2c: {  	s7 =	sld [smem:$0x3FA8]  }
0x2d: {  	s3 =	simm.s32 $0x108;
	s8 =	sld [smem:$0x3FA9]  }
0x2e: {  	s3 =	simm.s32 @!p0 $0x1082;
	s9 =	sld [smem:$0x3FAA]  }
0x2f: {  	lr =	sadd.s32 s0, s3;
	s0 =	sld [smem:$0x3FA1]  }
0x30: {  	s3 =	sld [smem:$0x3FA4]  }
0x31: {  	[smem:$0x3FAD] =	sst s10  }
0x32: {  	s10 =	sld [smem:$0x3FAB];
	_ =	sdelay $0x3  }
0x33: {  	p0 =	seq.s32 s10, $0x1;
	s10 =	sld [smem:$0x3FAD];
	_ =	sdelay $0x3  }
0x34: {  	[smem:$0x3FAD] =	sst s10  }
0x35: {  	s10 =	sld [smem:$0x3FAC];
	_ =	sdelay $0x3  }
0x36: {  	p1 =	seq.s32 s10, $0x1;
	s10 =	sld [smem:$0x3FAD];
	_ =	sdelay $0x3  }
0x37: {  	[smem:$0x3FAD] =	sst s10  }
0x38: {  	s10 =	sld [smem:$0x3FAE]  }
0x39: {  	_ = 	snop;
	(pc) =	sbr.ind lr, $3  }
0x3a: {  	_ = 	snop  }
0x3b: {  	_ = 	snop  }
0x3c: {  	p2 =	seq.s32 s10, $0x1;
	s10 =	sld [smem:$0x3FAD]  }
0x3d: {  	_ =	shalt  }
0x3e: {  	_ =	shalt  }
0x3f: {  	_ =	shalt  }
0x40: {  	_ =	shalt  }
0x41: {  	_ =	shalt  }
0x42: {  	_ =	shalt  }
0x43: {  	_ =	shalt  }
0x44: {  	_ =	shalt  }
0x45: {  	_ =	shalt  }
0x46: {  	_ =	shalt  }
0x47: {  	_ =	shalt  }
0x48: {  	_ =	shalt  }
0x49: {  	_ =	shalt  }
0x4a: {  	_ =	shalt  }
0x4b: {  	_ =	shalt  }
0x4c: {  	_ =	shalt  }
0x4d: {  	_ =	shalt  }
0x4e: {  	_ =	shalt  }
0x4f: {  	_ =	shalt  }
0x50: {  	_ =	shalt  }
0x51: {  	_ =	shalt  }
0x52: {  	_ =	shalt  }
0x53: {  	_ =	shalt  }
0x54: {  	_ =	shalt  }
0x55: {  	_ =	shalt  }
0x56: {  	_ =	shalt  }
0x57: {  	_ =	shalt  }
0x58: {  	_ =	shalt  }
0x59: {  	_ =	shalt  }
0x5a: {  	_ =	shalt  }
0x5b: {  	_ =	shalt  }
0x5c: {  	_ =	shalt  }
0x5d: {  	_ =	shalt  }
0x5e: {  	_ =	shalt  }
0x5f: {  	_ =	shalt  }
0x60: {  	_ =	shalt  }
0x61: {  	_ =	shalt  }
0x62: {  	_ =	shalt  }
0x63: {  	_ =	shalt  }
0x64: {  	_ =	shalt  }
0x65: {  	_ =	shalt  }
0x66: {  	_ =	shalt  }
0x67: {  	_ =	shalt  }
0x68: {  	_ =	shalt  }
0x69: {  	_ =	shalt  }
0x6a: {  	_ =	shalt  }
0x6b: {  	_ =	shalt  }
0x6c: {  	_ =	shalt  }
0x6d: {  	_ =	shalt  }
0x6e: {  	_ =	shalt  }
0x6f: {  	_ =	shalt  }
0x70: {  	_ =	shalt  }
0x71: {  	_ =	shalt  }
0x72: {  	_ =	shalt  }
0x73: {  	_ =	shalt  }
0x74: {  	_ =	shalt  }
0x75: {  	_ =	shalt  }
0x76: {  	_ =	shalt  }
0x77: {  	_ =	shalt  }
0x78: {  	_ =	shalt  }
0x79: {  	_ =	shalt  }
0x7a: {  	_ =	shalt  }
0x7b: {  	_ =	shalt  }
0x7c: {  	_ =	shalt  }
0x7d: {  	_ =	shalt  }
0x7e: {  	_ =	shalt  }
0x7f: {  	_ =	shalt  }
0x80: {  	_ =	shalt  }
0x81: {  	_ =	shalt  }
0x82: {  	_ =	shalt  }
0x83: {  	_ =	shalt  }
0x84: {  	_ =	shalt  }
0x85: {  	_ =	shalt  }
0x86: {  	_ =	shalt  }
0x87: {  	_ =	shalt  }
.Lfunc_end0:
.L_simem_size_0:
called_computation.1_lowered:
.L_overlay_start_0:
0x88: {  	s2 =	sld [smem:$0x3FD9]  }
0x89: {  	s3 =	sld [smem:$0x3FFE];
	_ =	sdelay $0x1  }
0x8a: {  	s1 =	srdreg.scid  }
0x8b: {  	s0 =	sand.u32 $0x1, s1  }
0x8c: {  	s17 =	sshll.u32 s0, $0xA;
	s2 =	sadd.s32 s3, s2  }
0x8d: {  	s2 =	sadd.s32 s2, s17  }
0x8e: {  	[smem:$0x3FB9] =	sst s2  }
0x8f: {  	_ = 	snop  }
0x90: {  	s2 =	sld [smem:$0x3FD0];
	(tm) =	ssettm $0x1  }
0x91: {  	s18 =	sld [smem:$0x3FFB];
	_ =	sdelay $0x3  }
0x92: {  	_ =	strace s18  }
0x93: {  	s3 =	sld [smem:$0x3FFC];
	_ =	sdelay $0x3  }
0x94: {  	_ =	strace s3  }
0x95: {  	s3 =	sld [smem:$0x3FFD];
	_ =	sdelay $0x3  }
0x96: {  	_ =	strace s3  }
0x97: {  	_ =	strace $0x8FFFFFFF  }
0x98: {  	s19 =	sld [smem:$0x3FDB];
	_ =	sdelay $0x1  }
0x99: {  	s4 =	simm.s32 $_scs_section_size  }
0x9a: {  	s5 =	simm.s32 $_size__tile_overlayer_lowered;
	s6 =	simm.s32 $_tile_overlayer_lowered  }
0x9b: {  	s22 =	simm.s32 $0x1BFF;
	s21 =	sshll.u32 s6, $0x1;
	s3 =	sadd.s32 s4, s19  }
0x9c: {  	s7 =	simm.s32 $0x0;
	s20 =	sshll.u32 s5, $0x1;
	s5 =	sadd.s32 s21, s3  }
0x9d: {  	[timem:s7], [sflag:s22] =	dma.local [hbm:s5], s20  }
0x9e: {  	_ =	swait.ge [sflag:s22], s20  }
0x9f: {  	s4 =	ssub.s32 $0x0, s20;
	[sflag:s22] =	ssyncset.done $0x0  }
0xa0: {  	[sflag:s22] =	ssyncadd.s32 s4;
	_ =	sdelay $0x1  }
0xa1: {  	s23 =	simm.s32 $0x1B8B  }
0xa2: {  	_ =	swait.ge [sflag:s23], $0x1  }
0xa3: {  	[sflag:s23] =	ssyncset.done $0x0  }
0xa4: {  	s25 =	simm.s32 $0x1B8E;
	s24 =	sld [smem:$0x3FFE];
	[sflag:s23] =	ssyncadd.s32 $0xFFFFFFFF  }
0xa5: {  	s26 =	simm.s32 $execute0_lowered;
	[smem:$0x3FD2] =	sst s25  }
0xa6: {  	s5 =	sshll.u32 s26, $0x1;
	_ =	strace $0x80000049;
	[dreg:$0x1] =	wrdreg $0xFFFFFFFF  }
0xa7: {  	s28 =	simm.s32 $_size_execute0_lowered;
	s3 =	sadd.s32 s3, s5;
	[dreg:$0x0] =	wrdreg $0x0  }
0xa8: {  	s5 =	sshll.u32 s28, $0x1;
	[dreg:$0x2] =	wrdreg s3  }
0xa9: {  	[dreg:$0x3] =	wrdreg s5  }
0xaa: {  	[dreg:$0x4] =	wrdreg $0xC0  }
0xab: {  	_ =	task [dreg:s7], $0x5FFFF  }
0xac: {  	[dreg:$0x1] =	wrdreg $0xFFFFFFFF  }
0xad: {  	[dreg:$0x0] =	wrdreg $0x60  }
0xae: {  	[dreg:$0x2] =	wrdreg s24  }
0xaf: {  	[dreg:$0x3] =	wrdreg s2  }
0xb0: {  	[dreg:$0x4] =	wrdreg $0xA8000  }
0xb1: {  	[dreg:$0x5] =	wrdreg $0x9  }
0xb2: {  	_ =	task.clear_ibuf [dreg:s7], $0x6FFFF;
	_ =	strace $0x90000049  }
0xb3: {  	s29 =	simm.s32 $0x9;
	_ =	strace $0x8000004B  }
0xb4: {  	_ =	swait.ge [sflag:s29], $0x1  }
0xb5: {  	[sflag:s29] =	ssyncadd.s32 $0xFFFFFFFF  }
0xb6: {  	_ =	strace $0x9000004B  }
0xb7: {  	_ =	sfence  }
0xb8: {  	s30 =	sld [smem:$0x0];
	_ =	sdelay $0x2  }
0xb9: {  	s31 =	sshll.u32 s1, $0xD;
	s1 =	sshrl.u32 s1, $0x2  }
0xba: {  	s3 =	sand.u32 $0x4000, s31;
	s1 =	sadd.s32 s1, s30  }
0xbb: {  	s0 =	sor.u32 s3, s0;
	s1 =	sshll.u32 s1, $0x11  }
0xbc: {  	s0 =	sor.u32 s1, s0  }
0xbd: {  	s0 =	sadd.s32 $0x8F2B, s0  }
0xbe: {  	[sflag:s0] =	ssyncadd.remote.s32 $0x1  }
0xbf: {  	_ =	sfence.sel $0xFFFF  }
0xc0: {  	[dreg:$0x0] =	wrdreg $0xFFFFFFFF;
	(pc) =	sbr.abs _section_cstart, $3  }
0xc1: {  	[dreg:$0x1] =	wrdreg $0xFFFFFFFF  }
0xc2: {  	_ =	task.clear_ibuf [dreg:s7], $0x2FFFF;
	_ =	strace $0x9FFFFFFF  }
0xc3: {  	(tm) =	ssettm $0x7FFFFFFF  }
tec
execute0_lowered:
.L_overlay_start_1:
0x0: {  	(tag) =	ssettag $0x1  }
0x1: {  	s8 =	rddreg [dreg:$0x0]  }
0x2: {  	s1 =	rddreg [dreg:$0x1]  }
0x3: {  	s2 =	rddreg [dreg:$0x2];
	s4 =	simm.s32 $0x0  }
0x4: {  	s5 =	srdreg.scid;
	s0 =	stileid.u32;
	s17 =	simm.s32 $0x3  }
0x5: {  	s18 =	simm.s32 $0x1400;
	s19 =	simm.s32 $0x80;
	s20 =	simm.s32 $0x2800  }
0x6: {  	s21 =	simm.s32 $0x6800;
	s22 =	simm.s32 $0x1;
	s23 =	simm.s32 $0x2  }
0x7: {  	s24 =	simm.s32 $0x1380;
	s25 =	simm.s32 $0x2700;
	s26 =	simm.s32 $0x2780  }
0x8: {  	[smem:$0x7FF] =	sst s4;
	s5 =	sand.u32 $0x1, s5;
	s9 =	smul.u32 $0x500, s0  }
0x9: {  	s6 =	sadd.s32 $0x64A00, s8;
	s7 =	sadd.s32 $0x62200, s8;
	s12 =	smul.u32 $0x50000, s0  }
0xa: {  	s30 =	sshll.u32 s0, $0x6;
	s14 =	sadd.s32 $0x280, s1;
	s10 =	ssub.s32 $0x2, s5  }
0xb: {  	_ =	strace $0x8000004A;
	s11 =	sshrl.u32 s10, $0x1;
	s15 =	sadd.s32 s9, s8  }
0xc: {  	s8 =	sadd.s32 $0x104A00, s8;
	s9 =	smul.u32 $0x280, s0;
	s29 =	sshrl.u32 s12, $0x2  }
0xd: {  	s13 =	ssub.s32 s10, s11;
	s16 =	sadd.s32 s29, s2;
	s10 =	sor.u32 $0x1C03, s30  }
0xe: {  	s11 =	smul.u32 $0x50, s0;
	s31 =	smax.u32 s13, $0x1;
	s13 =	sadd.s32 $0x53200, s15  }
0xf: {  	s15 =	sadd.s32 $0x53480, s15;
	s16 =	sshrl.u32 s16, $0x3;
	[dreg:$0x4] =	wrdreg s31  }
.LBB2_1:
0x10: {  	p1 =	por $0x1, $0x1;
	s29 =	simm.s32 $0x0  }
.LBB2_2:
0x11: {  	s28 =	sor.u32 s5, s29  }
0x12: {  	[spmem:s16], [sflag:s10] =	dma.local [hbm:s7], $0x2800  }
0x13: {  	s29 =	smul.u32 $0x500, s28  }
0x14: {  	_ =	swait.ge [sflag:s17], $0x2800  }
0x15: {  	[sflag:s17] =	ssyncset.done $0x0;
	s29 =	sadd.s32 s29, s11  }
0x16: {  	[sflag:s17] =	ssyncadd.s32 $0xFFFFD800;
	s29 =	sshll.u32 s29, $0x4  }
0x17: {  	s31 =	simm.s32 $0x0;
	[bflag:$0x0] =	sbarrier.arrive $0xFFFF;
	s30 =	sadd.s32 s1, s29  }
0x18: {  	[tilespmem:s31], [sflag:$0x3] =	stream.linear.gather [hbm4b:s30+s31], $0x1400, $0x38;
	[tilespmem:$0x1E800] =	vst v63  }
0x19: {  	_ =	swait.ge [sflag:s17], $0x1400  }
0x1a: {  	[sflag:s17] =	ssyncset.done $0x0  }
0x1b: {  	[sflag:s17] =	ssyncadd.s32 $0xFFFFEC00  }
0x1c: {  	[tilespmem:s18], [sflag:$0x3] =	stream.linear.gather [hbm4b:s13+s31], $0x1400, $0x38;
	[tilespmem:$0x1E800] =	vst v63  }
0x1d: {  	_ =	swait.ge [sflag:s17], $0x1400  }
0x1e: {  	[sflag:s17] =	ssyncset.done $0x0  }
0x1f: {  	[sflag:s17] =	ssyncadd.s32 $0xFFFFEC00  }
0x20: {  	[tilespmem:s20], [sflag:$0x1] =	stream.indirect.gather [hbm4b:s6+s19], $0x80, s31, s19, $0xb8;
	[tilespmem:$0x1E800] =	vst v63  }
0x21: {  	s30 =	simm.s32 $0x80  }
0x22: {  	[tilespmem:s21], [sflag:$0x2] =	stream.indirect.gather [hbm4b:s6+s19], $0x80, s30, s19, $0xb8;
	[tilespmem:$0x1E800] =	vst v63  }
0x23: {  	_ =	swait.ge [sflag:s22], $0x4000  }
0x24: {  	[sflag:s22] =	ssyncset.done $0x0  }
0x25: {  	s30 =	simm.s32 $0x1400;
	[sflag:s22] =	ssyncadd.s32 $0xFFFFC000  }
0x26: {  	[spmem:s2] =	stream.indirect.scatter.add.f32 [tilespmem:s20], [sflag:$0x3], $0x80, s30, s19, $0xb8;
	[tilespmem:$0x1E800] =	vst v63  }
0x27: {  	_ =	swait.ge [sflag:s17], $0x4000  }
0x28: {  	[sflag:s17] =	ssyncset.done $0x0  }
0x29: {  	s30 =	simm.s32 $0x100;
	[sflag:s17] =	ssyncadd.s32 $0xFFFFC000  }
0x2a: {  	[tilespmem:s20], [sflag:$0x1] =	stream.indirect.gather [hbm4b:s6+s19], $0x80, s30, s19, $0xb8;
	[tilespmem:$0x1E800] =	vst v63  }
0x2b: {  	_ =	swait.ge [sflag:s23], $0x4000  }
0x2c: {  	[sflag:s23] =	ssyncset.done $0x0  }
0x2d: {  	s30 =	simm.s32 $0x1480;
	[sflag:s23] =	ssyncadd.s32 $0xFFFFC000  }
0x2e: {  	[spmem:s2] =	stream.indirect.scatter.add.f32 [tilespmem:s21], [sflag:$0x3], $0x80, s30, s19, $0xb8;
	[tilespmem:$0x1E800] =	vst v63  }
0x2f: {  	p0 =	por p1, p1;
	_ =	swait.ge [sflag:s17], $0x4000  }
0x30: {  	s31 =	simm.s32 $0x800;
	s30 =	simm.s32 $0x100;
	[sflag:s17] =	ssyncset.done $0x0  }
.LBB2_3:
0x31: {  	s0 =	sadd.s32 $0x80, s30  }
0x32: {  	[sflag:s17] =	ssyncadd.s32 $0xFFFFC000;
	s3 =	smov.u32 s31;
	s12 =	sadd.s32 $0x400, s31  }
0x33: {  	[tilespmem:s21], [sflag:$0x2] =	stream.indirect.gather [hbm4b:s6+s19], $0x80, s0, s19, $0xb8;
	[tilespmem:$0x1E800] =	vst v63  }
0x34: {  	p1 =	sne.s32 s31, $0x4800;
	_ =	swait.ge [sflag:s22], $0x4000  }
0x35: {  	[sflag:s22] =	ssyncset.done $0x0  }
0x36: {  	s0 =	sadd.s32 $0x1400, s30;
	[sflag:s22] =	ssyncadd.s32 $0xFFFFC000  }
0x37: {  	[spmem:s2] =	stream.indirect.scatter.add.f32 [tilespmem:s20], [sflag:$0x3], $0x80, s0, s19, $0xb8;
	[tilespmem:$0x1E800] =	vst v63  }
0x38: {  	_ =	swait.ge [sflag:s17], $0x4000  }
0x39: {  	[sflag:s17] =	ssyncset.done $0x0  }
0x3a: {  	s0 =	sadd.s32 $0x100, s30;
	[sflag:s17] =	ssyncadd.s32 $0xFFFFC000  }
0x3b: {  	[tilespmem:s20], [sflag:$0x1] =	stream.indirect.gather [hbm4b:s6+s19], $0x80, s0, s19, $0xb8;
	[tilespmem:$0x1E800] =	vst v63  }
0x3c: {  	_ =	swait.ge [sflag:s23], $0x4000  }
.Ltmp0:
0x3d: {  	[sflag:s23] =	ssyncset.done $0x0;
	(pc) =	sbr.rel @p1 .LBB2_3-.Ltmp0, $4  }
0x3e: {  	s0 =	sadd.s32 $0x1480, s30;
	[sflag:s23] =	ssyncadd.s32 $0xFFFFC000  }
0x3f: {  	[spmem:s2] =	stream.indirect.scatter.add.f32 [tilespmem:s21], [sflag:$0x3], $0x80, s0, s19, $0xb8;
	[tilespmem:$0x1E800] =	vst v63  }
0x40: {  	_ =	swait.ge [sflag:s17], $0x4000  }
0x41: {  	s31 =	smov.u32 s12;
	s30 =	sshra.s32 s3, $0x2;
	[sflag:s17] =	ssyncset.done $0x0  }
0x42: {  	s0 =	sadd.s32 $0x80, s30;
	[sflag:s17] =	ssyncadd.s32 $0xFFFFC000  }
0x43: {  	[tilespmem:s21], [sflag:$0x2] =	stream.indirect.gather [hbm4b:s6+s19], $0x80, s0, s19, $0xb8;
	[tilespmem:$0x1E800] =	vst v63  }
0x44: {  	_ =	swait.ge [sflag:s22], $0x4000  }
0x45: {  	[sflag:s22] =	ssyncset.done $0x0  }
0x46: {  	s12 =	sadd.s32 $0x1400, s30;
	[sflag:s22] =	ssyncadd.s32 $0xFFFFC000  }
0x47: {  	[spmem:s2] =	stream.indirect.scatter.add.f32 [tilespmem:s20], [sflag:$0x3], $0x80, s12, s19, $0xb8;
	[tilespmem:$0x1E800] =	vst v63  }
0x48: {  	_ =	swait.ge [sflag:s17], $0x4000  }
0x49: {  	[sflag:s17] =	ssyncset.done $0x0  }
0x4a: {  	s31 =	sadd.s32 $0x100, s30;
	[sflag:s17] =	ssyncadd.s32 $0xFFFFC000  }
0x4b: {  	[tilespmem:s20], [sflag:$0x1] =	stream.indirect.gather [hbm4b:s6+s19], $0x80, s31, s19, $0xb8;
	[tilespmem:$0x1E800] =	vst v63  }
0x4c: {  	_ =	swait.ge [sflag:s23], $0x4000  }
0x4d: {  	[sflag:s23] =	ssyncset.done $0x0  }
0x4e: {  	s3 =	sadd.s32 $0x1480, s30;
	[sflag:s23] =	ssyncadd.s32 $0xFFFFC000  }
0x4f: {  	[spmem:s2] =	stream.indirect.scatter.add.f32 [tilespmem:s21], [sflag:$0x3], $0x80, s3, s19, $0xb8;
	[tilespmem:$0x1E800] =	vst v63  }
0x50: {  	_ =	swait.ge [sflag:s17], $0x4000  }
0x51: {  	[sflag:s17] =	ssyncset.done $0x0  }
0x52: {  	[sflag:s17] =	ssyncadd.s32 $0xFFFFC000  }
0x53: {  	[tilespmem:s21], [sflag:$0x2] =	stream.indirect.gather [hbm4b:s6+s19], $0x80, s24, s19, $0xb8;
	[tilespmem:$0x1E800] =	vst v63  }
0x54: {  	_ =	swait.ge [sflag:s22], $0x4000  }
0x55: {  	[sflag:s22] =	ssyncset.done $0x0  }
0x56: {  	[sflag:s22] =	ssyncadd.s32 $0xFFFFC000  }
0x57: {  	[spmem:s2] =	stream.indirect.scatter.add.f32 [tilespmem:s20], [sflag:$0x3], $0x80, s25, s19, $0xb8;
	[tilespmem:$0x1E800] =	vst v63  }
0x58: {  	_ =	swait.ge [sflag:s17], $0x4000  }
0x59: {  	[sflag:s17] =	ssyncset.done $0x0  }
0x5a: {  	[sflag:s17] =	ssyncadd.s32 $0xFFFFC000  }
0x5b: {  	_ =	swait.ge [sflag:s23], $0x4000  }
0x5c: {  	[sflag:s23] =	ssyncset.done $0x0  }
0x5d: {  	[sflag:s23] =	ssyncadd.s32 $0xFFFFC000  }
0x5e: {  	[spmem:s2] =	stream.indirect.scatter.add.f32 [tilespmem:s21], [sflag:$0x3], $0x80, s26, s19, $0xb8;
	[tilespmem:$0x1E800] =	vst v63  }
0x5f: {  	_ =	swait.ge [sflag:s17], $0x4000  }
0x60: {  	[sflag:s17] =	ssyncset.done $0x0  }
0x61: {  	s12 =	sadd.s32 s14, s29;
	s3 =	simm.s32 $0x0;
	[sflag:s17] =	ssyncadd.s32 $0xFFFFC000  }
0x62: {  	[tilespmem:s3], [sflag:$0x3] =	stream.linear.gather [hbm4b:s12+s3], $0x1400, $0x38;
	[tilespmem:$0x1E800] =	vst v63  }
0x63: {  	_ =	swait.ge [sflag:s17], $0x1400  }
0x64: {  	[sflag:s17] =	ssyncset.done $0x0  }
0x65: {  	[sflag:s17] =	ssyncadd.s32 $0xFFFFEC00  }
0x66: {  	[tilespmem:s18], [sflag:$0x3] =	stream.linear.gather [hbm4b:s15+s3], $0x1400, $0x38;
	[tilespmem:$0x1E800] =	vst v63  }
0x67: {  	_ =	swait.ge [sflag:s17], $0x1400  }
0x68: {  	[sflag:s17] =	ssyncset.done $0x0  }
0x69: {  	[sflag:s17] =	ssyncadd.s32 $0xFFFFEC00  }
0x6a: {  	[tilespmem:s20], [sflag:$0x1] =	stream.indirect.gather [hbm4b:s6+s19], $0x80, s3, s19, $0xb8;
	[tilespmem:$0x1E800] =	vst v63  }
0x6b: {  	s31 =	simm.s32 $0x80  }
0x6c: {  	[tilespmem:s21], [sflag:$0x2] =	stream.indirect.gather [hbm4b:s6+s19], $0x80, s31, s19, $0xb8;
	[tilespmem:$0x1E800] =	vst v63  }
0x6d: {  	_ =	swait.ge [sflag:s22], $0x4000  }
0x6e: {  	[sflag:s22] =	ssyncset.done $0x0  }
0x6f: {  	s3 =	simm.s32 $0x1400;
	[sflag:s22] =	ssyncadd.s32 $0xFFFFC000  }
0x70: {  	[spmem:s2] =	stream.indirect.scatter.add.f32 [tilespmem:s20], [sflag:$0x3], $0x80, s3, s19, $0xb8;
	[tilespmem:$0x1E800] =	vst v63  }
0x71: {  	_ =	swait.ge [sflag:s17], $0x4000  }
0x72: {  	[sflag:s17] =	ssyncset.done $0x0  }
0x73: {  	s12 =	simm.s32 $0x100;
	[sflag:s17] =	ssyncadd.s32 $0xFFFFC000  }
0x74: {  	[tilespmem:s20], [sflag:$0x1] =	stream.indirect.gather [hbm4b:s6+s19], $0x80, s12, s19, $0xb8;
	[tilespmem:$0x1E800] =	vst v63  }
0x75: {  	_ =	swait.ge [sflag:s23], $0x4000  }
0x76: {  	[sflag:s23] =	ssyncset.done $0x0  }
0x77: {  	s31 =	simm.s32 $0x1480;
	[sflag:s23] =	ssyncadd.s32 $0xFFFFC000  }
0x78: {  	[spmem:s2] =	stream.indirect.scatter.add.f32 [tilespmem:s21], [sflag:$0x3], $0x80, s31, s19, $0xb8;
	[tilespmem:$0x1E800] =	vst v63  }
0x79: {  	_ =	swait.ge [sflag:s17], $0x4000  }
0x7a: {  	s30 =	simm.s32 $0x800;
	s29 =	simm.s32 $0x100;
	[sflag:s17] =	ssyncset.done $0x0  }
.LBB2_5:
0x7b: {  	s0 =	sadd.s32 $0x80, s29  }
0x7c: {  	[sflag:s17] =	ssyncadd.s32 $0xFFFFC000;
	s3 =	smov.u32 s30;
	s12 =	sadd.s32 $0x400, s30  }
0x7d: {  	[tilespmem:s21], [sflag:$0x2] =	stream.indirect.gather [hbm4b:s6+s19], $0x80, s0, s19, $0xb8;
	[tilespmem:$0x1E800] =	vst v63  }
0x7e: {  	p1 =	sne.s32 s30, $0x4800;
	_ =	swait.ge [sflag:s22], $0x4000  }
0x7f: {  	[sflag:s22] =	ssyncset.done $0x0  }
0x80: {  	s0 =	sadd.s32 $0x1400, s29;
	[sflag:s22] =	ssyncadd.s32 $0xFFFFC000  }
0x81: {  	[spmem:s2] =	stream.indirect.scatter.add.f32 [tilespmem:s20], [sflag:$0x3], $0x80, s0, s19, $0xb8;
	[tilespmem:$0x1E800] =	vst v63  }
0x82: {  	_ =	swait.ge [sflag:s17], $0x4000  }
0x83: {  	[sflag:s17] =	ssyncset.done $0x0  }
0x84: {  	s0 =	sadd.s32 $0x100, s29;
	[sflag:s17] =	ssyncadd.s32 $0xFFFFC000  }
0x85: {  	[tilespmem:s20], [sflag:$0x1] =	stream.indirect.gather [hbm4b:s6+s19], $0x80, s0, s19, $0xb8;
	[tilespmem:$0x1E800] =	vst v63  }
0x86: {  	_ =	swait.ge [sflag:s23], $0x4000  }
.Ltmp1:
0x87: {  	[sflag:s23] =	ssyncset.done $0x0;
	(pc) =	sbr.rel @p1 .LBB2_5-.Ltmp1, $4  }
0x88: {  	s0 =	sadd.s32 $0x1480, s29;
	[sflag:s23] =	ssyncadd.s32 $0xFFFFC000  }
0x89: {  	[spmem:s2] =	stream.indirect.scatter.add.f32 [tilespmem:s21], [sflag:$0x3], $0x80, s0, s19, $0xb8;
	[tilespmem:$0x1E800] =	vst v63  }
0x8a: {  	_ =	swait.ge [sflag:s17], $0x4000  }
0x8b: {  	s30 =	smov.u32 s12;
	s29 =	sshra.s32 s3, $0x2;
	[sflag:s17] =	ssyncset.done $0x0  }
0x8c: {  	s0 =	sadd.s32 $0x80, s29;
	[sflag:s17] =	ssyncadd.s32 $0xFFFFC000  }
0x8d: {  	[tilespmem:s21], [sflag:$0x2] =	stream.indirect.gather [hbm4b:s6+s19], $0x80, s0, s19, $0xb8;
	[tilespmem:$0x1E800] =	vst v63  }
0x8e: {  	_ =	swait.ge [sflag:s22], $0x4000  }
0x8f: {  	[sflag:s22] =	ssyncset.done $0x0  }
0x90: {  	s3 =	sadd.s32 $0x1400, s29;
	[sflag:s22] =	ssyncadd.s32 $0xFFFFC000  }
0x91: {  	[spmem:s2] =	stream.indirect.scatter.add.f32 [tilespmem:s20], [sflag:$0x3], $0x80, s3, s19, $0xb8;
	[tilespmem:$0x1E800] =	vst v63  }
0x92: {  	_ =	swait.ge [sflag:s17], $0x4000  }
0x93: {  	[sflag:s17] =	ssyncset.done $0x0  }
0x94: {  	s12 =	sadd.s32 $0x100, s29;
	[sflag:s17] =	ssyncadd.s32 $0xFFFFC000  }
0x95: {  	[tilespmem:s20], [sflag:$0x1] =	stream.indirect.gather [hbm4b:s6+s19], $0x80, s12, s19, $0xb8;
	[tilespmem:$0x1E800] =	vst v63  }
0x96: {  	_ =	swait.ge [sflag:s23], $0x4000  }
0x97: {  	[sflag:s23] =	ssyncset.done $0x0  }
0x98: {  	s30 =	sadd.s32 $0x1480, s29;
	[sflag:s23] =	ssyncadd.s32 $0xFFFFC000  }
0x99: {  	[spmem:s2] =	stream.indirect.scatter.add.f32 [tilespmem:s21], [sflag:$0x3], $0x80, s30, s19, $0xb8;
	[tilespmem:$0x1E800] =	vst v63  }
0x9a: {  	_ =	swait.ge [sflag:s17], $0x4000  }
0x9b: {  	[sflag:s17] =	ssyncset.done $0x0  }
0x9c: {  	[sflag:s17] =	ssyncadd.s32 $0xFFFFC000  }
0x9d: {  	[tilespmem:s21], [sflag:$0x2] =	stream.indirect.gather [hbm4b:s6+s19], $0x80, s24, s19, $0xb8;
	[tilespmem:$0x1E800] =	vst v63  }
0x9e: {  	_ =	swait.ge [sflag:s22], $0x4000  }
0x9f: {  	[sflag:s22] =	ssyncset.done $0x0  }
0xa0: {  	[sflag:s22] =	ssyncadd.s32 $0xFFFFC000  }
0xa1: {  	[spmem:s2] =	stream.indirect.scatter.add.f32 [tilespmem:s20], [sflag:$0x3], $0x80, s25, s19, $0xb8;
	[tilespmem:$0x1E800] =	vst v63  }
0xa2: {  	_ =	swait.ge [sflag:s17], $0x4000  }
0xa3: {  	[sflag:s17] =	ssyncset.done $0x0  }
0xa4: {  	s29 =	simm.s32 $0x2;
	[sflag:s17] =	ssyncadd.s32 $0xFFFFC000  }
0xa5: {  	_ =	swait.ge [sflag:s29], $0x4000  }
0xa6: {  	[sflag:s29] =	ssyncset.done $0x0  }
0xa7: {  	s31 =	smul.u32 $0x2800, s28;
	[sflag:s29] =	ssyncadd.s32 $0xFFFFC000  }
0xa8: {  	[spmem:s2] =	stream.indirect.scatter.add.f32 [tilespmem:s21], [sflag:$0x3], $0x80, s26, s19, $0xb8;
	[tilespmem:$0x1E800] =	vst v63  }
0xa9: {  	_ =	swait.ge [sflag:s17], $0x4000  }
0xaa: {  	s0 =	sadd.s32 s9, s31;
	[sflag:s17] =	ssyncset.done $0x0  }
0xab: {  	s0 =	sshll.u32 s0, $0x4;
	[sflag:s17] =	ssyncadd.s32 $0xFFFFC000  }
0xac: {  	s0 =	sadd.s32 s8, s0;
	[bflag:$0x0] =	sbarrier.arrive $0xFFFF  }
0xad: {  	[hbm:s0], [sflag:s10] =	dma.local [spmem:s16], $0x2800  }
.Ltmp2:
0xae: {  	_ =	swait.ge [sflag:s17], $0x2800;
	(pc) =	sbr.rel @p0 .LBB2_2-.Ltmp2, $4  }
0xaf: {  	[sflag:s17] =	ssyncset.done $0x0  }
0xb0: {  	[sflag:s17] =	ssyncadd.s32 $0xFFFFD800  }
0xb1: {  	[bflag:$0x0] =	sbarrier.arrive $0xFFFF  }
0xb2: {  	p1 =	por $0x0, $0x0  }
0xb3: {  	s4 =	sadd.s32 $0x1, s4;
	s0 =	rddreg [dreg:$0x4]  }
0xb4: {  	p0 =	sne.s32 s4, s0  }
.Ltmp3:
0xb5: {  	_ = 	snop;
	(pc) =	sbr.rel @p0 .LBB2_1-.Ltmp3, $1  }
0xb6: {  	_ =	sdelay $0x3  }
0xb7: {  	_ =	sfence.sel $0x180000  }
0xb8: {  	[bflag:$0x0] =	sbarrier.arrive $0xFFFF  }
0xb9: {  	_ =	strace $0x9000004A  }
0xba: {  	s0 =	stileid.u32;
	[bflag:$0x2] =	sbarrier.arrive $0xFFFF  }
0xbb: {  	p0 =	sne.s32 s0, $0x0;
	s0 =	rddreg [dreg:$0x3]  }
0xbc: {  	s0 =	sadd.s32 @!p0 $0x100000, s0  }
0xbd: {  	[sflag:s0] =	ssyncadd.tile.s32 @!p0 $0x1;
	_ =	shalt  }
.Lfunc_end2:
_tile_overlayer_lowered:
.L_overlay_start_2:
0xbe: {  	(tag) =	ssettag $0x2  }
0xbf: {  	s0 =	rddreg [dreg:$0x0];
	s2 =	stileid.u32  }
0xc0: {  	s1 =	rddreg [dreg:$0x1];
	p0 =	sne.s32 s2, $0x0  }
0xc1: {  	s3 =	rddreg [dreg:$0x2];
	[bflag:$0x3] =	sbarrier.arrive $0xFFFF;
	s2 =	simm.s32 @!p0 $0x1C03  }
0xc2: {  	[timem:s3], [sflag:s2] =	dma.local @!p0 [hbm:s0], s1  }
0xc3: {  	s0 =	simm.s32 @!p0 $0x3  }
0xc4: {  	_ =	swait.ge @!p0 [sflag:s0], s1  }
0xc5: {  	s1 =	ssub.s32 @!p0 $0x0, s1;
	[sflag:s0] =	ssyncset.done @!p0 $0x0  }
0xc6: {  	[sflag:s0] =	ssyncadd.s32 @!p0 s1  }
0xc7: {  	[bflag:$0x3] =	sbarrier.arrive $0xFFFF  }
0xc8: {  	_ =	shalt  }

// kernel: kernel.14.cloned.1.call-start
scs
__scs_entry_jumppad:
0x0: {  	(pc) =	sbr.rel $0x88, $3  }
0x1: {  	(tag) =	ssettag $0x0;
	lr =	simm.s32 $0x1  }
0x2: {  	[smem:$0x3F92] =	sst lr;
	_ =	strace $0xD0000000  }
0x3: {  	_ = 	snop  }
0x4: {  	_ = 	snop  }
0x5: {  	_ = 	snop  }
0x6: {  	_ = 	snop  }
0x7: {  	_ = 	snop  }
__scs_overlays_trampoline_lowered:
0x8: {  	[smem:$0x3FA1] =	sst s0  }
0x9: {  	[smem:$0x3FA2] =	sst s1  }
0xa: {  	[smem:$0x3FA3] =	sst s2  }
0xb: {  	[smem:$0x3FA4] =	sst s3  }
0xc: {  	[smem:$0x3FA5] =	sst s4  }
0xd: {  	[smem:$0x3FA6] =	sst s5  }
0xe: {  	[smem:$0x3FA7] =	sst s6  }
0xf: {  	[smem:$0x3FA8] =	sst s7  }
0x10: {  	[smem:$0x3FA9] =	sst s8  }
0x11: {  	[smem:$0x3FAA] =	sst s9;
	s0 =	simm.s32 @!p0 $0x0  }
0x12: {  	s1 =	sld [smem:$0x3F90];
	s0 =	simm.s32 @p0 $0x1  }
0x13: {  	[smem:$0x3FAB] =	sst s0;
	s0 =	simm.s32 @!p1 $0x0  }
0x14: {  	s2 =	sld [smem:$0x3F8F];
	s0 =	simm.s32 @p1 $0x1  }
0x15: {  	[smem:$0x3FAC] =	sst s0;
	s0 =	simm.s32 @!p2 $0x0  }
0x16: {  	s3 =	sld [smem:$0x3FDB];
	s0 =	simm.s32 @p2 $0x1  }
0x17: {  	s4 =	simm.s32 $0x1BF5;
	[smem:$0x3FAE] =	sst s0  }
0x18: {  	s0 =	sld [smem:$0x3F91];
	_ =	swait.ge [sflag:s4], $0x0  }
0x19: {  	s7 =	sld [smem:$0x3F92]  }
0x1a: {  	s8 =	sadd.s32 $0xFFFFE003, lr  }
0x1b: {  	s9 =	sadd.s32 $0xFFFFFEF7, lr;
	s5 =	simm.s32 $0xFFFFFFFF;
	p2 =	slt.u32 s8, $0xFFFFF086  }
0x1c: {  	p1 =	slt.u32 s9, $0xF7A;
	s5 =	simm.s32 @!p2 $0x0  }
0x1d: {  	s5 =	simm.s32 @p1 $0x1;
	p0 =	seq.s32 s7, s2  }
0x1e: {  	s7 =	smul.u32 @!p0 $0xF7A, s2;
	p2 =	seq.s32 @!p0 s5, $0x0  }
0x1f: {  	s9 =	smul.u32 $0xF7A, s1;
	s8 =	simm.s32 @!p0 $0x1BF5;
	p2 =	por !p2, p0  }
0x20: {  	[sflag:s8] =	ssyncset.s32 @!p0 $0xFFFFF086;
	s6 =	sadd.s32 @!p0 s3, s7;
	s7 =	simm.s32 @!p0 $0x108  }
0x21: {  	s3 =	sadd.s32 s3, s9;
	s6 =	sadd.s32 @!p0 $0x88, s6;
	s7 =	simm.s32 @p2 $0x1082  }
0x22: {  	[simem:s7], [sflag:s8] =	dma.local @!p0 [hbm:s6], $0xF7A  }
0x23: {  	s9 =	sor.u32 $0xD0000000, s2;
	s6 =	simm.s32 $0x108;
	_ =	swait.ge @!p0 [sflag:s8], $0x0  }
0x24: {  	s3 =	sadd.s32 $0x88, s3;
	s6 =	simm.s32 @!p1 $0x1082;
	[sflag:s4] =	ssyncset.s32 $0xFFFFF086  }
0x25: {  	[simem:s6], [sflag:s4] =	dma.local [hbm:s3], $0xF7A  }
0x26: {  	[smem:$0x3F92] =	sst s1;
	(tag) =	ssettag s2;
	_ =	strace s9  }
0x27: {  	s1 =	sld [smem:$0x3FA2]  }
0x28: {  	s2 =	sld [smem:$0x3FA3]  }
0x29: {  	s4 =	sld [smem:$0x3FA5]  }
0x2a: {  	p0 =	seq.s32 s5, $0x0;
	s5 =	sld [smem:$0x3FA6]  }
0x2b: {  	s6 =	sld [smem:$0x3FA7]  }
0x2c: {  	s7 =	sld [smem:$0x3FA8]  }
0x2d: {  	s3 =	simm.s32 $0x108;
	s8 =	sld [smem:$0x3FA9]  }
0x2e: {  	s3 =	simm.s32 @!p0 $0x1082;
	s9 =	sld [smem:$0x3FAA]  }
0x2f: {  	lr =	sadd.s32 s0, s3;
	s0 =	sld [smem:$0x3FA1]  }
0x30: {  	s3 =	sld [smem:$0x3FA4]  }
0x31: {  	[smem:$0x3FAD] =	sst s10  }
0x32: {  	s10 =	sld [smem:$0x3FAB];
	_ =	sdelay $0x3  }
0x33: {  	p0 =	seq.s32 s10, $0x1;
	s10 =	sld [smem:$0x3FAD];
	_ =	sdelay $0x3  }
0x34: {  	[smem:$0x3FAD] =	sst s10  }
0x35: {  	s10 =	sld [smem:$0x3FAC];
	_ =	sdelay $0x3  }
0x36: {  	p1 =	seq.s32 s10, $0x1;
	s10 =	sld [smem:$0x3FAD];
	_ =	sdelay $0x3  }
0x37: {  	[smem:$0x3FAD] =	sst s10  }
0x38: {  	s10 =	sld [smem:$0x3FAE]  }
0x39: {  	_ = 	snop;
	(pc) =	sbr.ind lr, $3  }
0x3a: {  	_ = 	snop  }
0x3b: {  	_ = 	snop  }
0x3c: {  	p2 =	seq.s32 s10, $0x1;
	s10 =	sld [smem:$0x3FAD]  }
0x3d: {  	_ =	shalt  }
0x3e: {  	_ =	shalt  }
0x3f: {  	_ =	shalt  }
0x40: {  	_ =	shalt  }
0x41: {  	_ =	shalt  }
0x42: {  	_ =	shalt  }
0x43: {  	_ =	shalt  }
0x44: {  	_ =	shalt  }
0x45: {  	_ =	shalt  }
0x46: {  	_ =	shalt  }
0x47: {  	_ =	shalt  }
0x48: {  	_ =	shalt  }
0x49: {  	_ =	shalt  }
0x4a: {  	_ =	shalt  }
0x4b: {  	_ =	shalt  }
0x4c: {  	_ =	shalt  }
0x4d: {  	_ =	shalt  }
0x4e: {  	_ =	shalt  }
0x4f: {  	_ =	shalt  }
0x50: {  	_ =	shalt  }
0x51: {  	_ =	shalt  }
0x52: {  	_ =	shalt  }
0x53: {  	_ =	shalt  }
0x54: {  	_ =	shalt  }
0x55: {  	_ =	shalt  }
0x56: {  	_ =	shalt  }
0x57: {  	_ =	shalt  }
0x58: {  	_ =	shalt  }
0x59: {  	_ =	shalt  }
0x5a: {  	_ =	shalt  }
0x5b: {  	_ =	shalt  }
0x5c: {  	_ =	shalt  }
0x5d: {  	_ =	shalt  }
0x5e: {  	_ =	shalt  }
0x5f: {  	_ =	shalt  }
0x60: {  	_ =	shalt  }
0x61: {  	_ =	shalt  }
0x62: {  	_ =	shalt  }
0x63: {  	_ =	shalt  }
0x64: {  	_ =	shalt  }
0x65: {  	_ =	shalt  }
0x66: {  	_ =	shalt  }
0x67: {  	_ =	shalt  }
0x68: {  	_ =	shalt  }
0x69: {  	_ =	shalt  }
0x6a: {  	_ =	shalt  }
0x6b: {  	_ =	shalt  }
0x6c: {  	_ =	shalt  }
0x6d: {  	_ =	shalt  }
0x6e: {  	_ =	shalt  }
0x6f: {  	_ =	shalt  }
0x70: {  	_ =	shalt  }
0x71: {  	_ =	shalt  }
0x72: {  	_ =	shalt  }
0x73: {  	_ =	shalt  }
0x74: {  	_ =	shalt  }
0x75: {  	_ =	shalt  }
0x76: {  	_ =	shalt  }
0x77: {  	_ =	shalt  }
0x78: {  	_ =	shalt  }
0x79: {  	_ =	shalt  }
0x7a: {  	_ =	shalt  }
0x7b: {  	_ =	shalt  }
0x7c: {  	_ =	shalt  }
0x7d: {  	_ =	shalt  }
0x7e: {  	_ =	shalt  }
0x7f: {  	_ =	shalt  }
0x80: {  	_ =	shalt  }
0x81: {  	_ =	shalt  }
0x82: {  	_ =	shalt  }
0x83: {  	_ =	shalt  }
0x84: {  	_ =	shalt  }
0x85: {  	_ =	shalt  }
0x86: {  	_ =	shalt  }
0x87: {  	_ =	shalt  }
.Lfunc_end0:
.L_simem_size_0:
called_computation.2_lowered:
.L_overlay_start_0:
0x88: {  	s2 =	sld [smem:$0x3FD9]  }
0x89: {  	s3 =	sld [smem:$0x3FFE];
	_ =	sdelay $0x1  }
0x8a: {  	s1 =	srdreg.scid  }
0x8b: {  	s0 =	sand.u32 $0x1, s1  }
0x8c: {  	s17 =	sshll.u32 s0, $0xA;
	s2 =	sadd.s32 s3, s2  }
0x8d: {  	s2 =	sadd.s32 s2, s17  }
0x8e: {  	[smem:$0x3FB9] =	sst s2  }
0x8f: {  	_ = 	snop  }
0x90: {  	s2 =	sld [smem:$0x3FD0];
	(tm) =	ssettm $0x1  }
0x91: {  	s18 =	sld [smem:$0x3FFB];
	_ =	sdelay $0x3  }
0x92: {  	_ =	strace s18  }
0x93: {  	s3 =	sld [smem:$0x3FFC];
	_ =	sdelay $0x3  }
0x94: {  	_ =	strace s3  }
0x95: {  	s3 =	sld [smem:$0x3FFD];
	_ =	sdelay $0x3  }
0x96: {  	_ =	strace s3  }
0x97: {  	_ =	strace $0x8FFFFFFF  }
0x98: {  	s19 =	sld [smem:$0x3FDB];
	_ =	sdelay $0x1  }
0x99: {  	s4 =	simm.s32 $_scs_section_size  }
0x9a: {  	s5 =	simm.s32 $_size__tile_overlayer_lowered;
	s6 =	simm.s32 $_tile_overlayer_lowered  }
0x9b: {  	s22 =	simm.s32 $0x1BFF;
	s21 =	sshll.u32 s6, $0x1;
	s3 =	sadd.s32 s4, s19  }
0x9c: {  	s7 =	simm.s32 $0x0;
	s20 =	sshll.u32 s5, $0x1;
	s5 =	sadd.s32 s21, s3  }
0x9d: {  	[timem:s7], [sflag:s22] =	dma.local [hbm:s5], s20  }
0x9e: {  	_ =	swait.ge [sflag:s22], s20  }
0x9f: {  	s4 =	ssub.s32 $0x0, s20;
	[sflag:s22] =	ssyncset.done $0x0  }
0xa0: {  	[sflag:s22] =	ssyncadd.s32 s4;
	_ =	sdelay $0x1  }
0xa1: {  	s23 =	simm.s32 $0x1B8B  }
0xa2: {  	_ =	swait.ge [sflag:s23], $0x1  }
0xa3: {  	[sflag:s23] =	ssyncset.done $0x0  }
0xa4: {  	s25 =	simm.s32 $0x1B8E;
	s24 =	sld [smem:$0x3FFE];
	[sflag:s23] =	ssyncadd.s32 $0xFFFFFFFF  }
0xa5: {  	s26 =	simm.s32 $execute0_lowered;
	[smem:$0x3FD2] =	sst s25  }
0xa6: {  	s5 =	sshll.u32 s26, $0x1;
	_ =	strace $0x8000004C;
	[dreg:$0x1] =	wrdreg $0xFFFFFFFF  }
0xa7: {  	s28 =	simm.s32 $_size_execute0_lowered;
	s3 =	sadd.s32 s3, s5;
	[dreg:$0x0] =	wrdreg $0x0  }
0xa8: {  	s5 =	sshll.u32 s28, $0x1;
	[dreg:$0x2] =	wrdreg s3  }
0xa9: {  	[dreg:$0x3] =	wrdreg s5  }
0xaa: {  	[dreg:$0x4] =	wrdreg $0xC0  }
0xab: {  	_ =	task [dreg:s7], $0x5FFFF  }
0xac: {  	[dreg:$0x1] =	wrdreg $0xFFFFFFFF  }
0xad: {  	[dreg:$0x0] =	wrdreg $0x60  }
0xae: {  	[dreg:$0x2] =	wrdreg s24  }
0xaf: {  	[dreg:$0x3] =	wrdreg s2  }
0xb0: {  	[dreg:$0x4] =	wrdreg $0xA8000  }
0xb1: {  	[dreg:$0x5] =	wrdreg $0x9  }
0xb2: {  	_ =	task.clear_ibuf [dreg:s7], $0x6FFFF;
	_ =	strace $0x9000004C  }
0xb3: {  	s29 =	simm.s32 $0x9;
	_ =	strace $0x8000004E  }
0xb4: {  	_ =	swait.ge [sflag:s29], $0x1  }
0xb5: {  	[sflag:s29] =	ssyncadd.s32 $0xFFFFFFFF  }
0xb6: {  	_ =	strace $0x9000004E  }
0xb7: {  	_ =	sfence  }
0xb8: {  	s30 =	sld [smem:$0x0];
	_ =	sdelay $0x2  }
0xb9: {  	s31 =	sshll.u32 s1, $0xD;
	s1 =	sshrl.u32 s1, $0x2  }
0xba: {  	s3 =	sand.u32 $0x4000, s31;
	s1 =	sadd.s32 s1, s30  }
0xbb: {  	s0 =	sor.u32 s3, s0;
	s1 =	sshll.u32 s1, $0x11  }
0xbc: {  	s0 =	sor.u32 s1, s0  }
0xbd: {  	s0 =	sadd.s32 $0x8F2B, s0  }
0xbe: {  	[sflag:s0] =	ssyncadd.remote.s32 $0x1  }
0xbf: {  	_ =	sfence.sel $0xFFFF  }
0xc0: {  	[dreg:$0x0] =	wrdreg $0xFFFFFFFF;
	(pc) =	sbr.abs _section_cstart, $3  }
0xc1: {  	[dreg:$0x1] =	wrdreg $0xFFFFFFFF  }
0xc2: {  	_ =	task.clear_ibuf [dreg:s7], $0x2FFFF;
	_ =	strace $0x9FFFFFFF  }
0xc3: {  	(tm) =	ssettm $0x7FFFFFFF  }
tec
execute0_lowered:
.L_overlay_start_1:
0x0: {  	(tag) =	ssettag $0x1  }
0x1: {  	s8 =	rddreg [dreg:$0x0]  }
0x2: {  	s1 =	rddreg [dreg:$0x1]  }
0x3: {  	s2 =	rddreg [dreg:$0x2];
	s4 =	simm.s32 $0x0  }
0x4: {  	s5 =	srdreg.scid;
	s0 =	stileid.u32;
	s17 =	simm.s32 $0x3  }
0x5: {  	s18 =	simm.s32 $0x1400;
	s19 =	simm.s32 $0x80;
	s20 =	simm.s32 $0x2800  }
0x6: {  	s21 =	simm.s32 $0x6800;
	s22 =	simm.s32 $0x1;
	s23 =	simm.s32 $0x2  }
0x7: {  	s24 =	simm.s32 $0x1380;
	s25 =	simm.s32 $0x2700;
	s26 =	simm.s32 $0x2780  }
0x8: {  	[smem:$0x7FF] =	sst s4;
	s5 =	sand.u32 $0x1, s5;
	s9 =	smul.u32 $0x500, s0  }
0x9: {  	s6 =	sadd.s32 $0x1A4A00, s8;
	s7 =	sadd.s32 $0x62200, s8;
	s12 =	smul.u32 $0x50000, s0  }
0xa: {  	s30 =	sshll.u32 s0, $0x6;
	s14 =	sadd.s32 $0x280, s1;
	s10 =	ssub.s32 $0x2, s5  }
0xb: {  	_ =	strace $0x8000004D;
	s11 =	sshrl.u32 s10, $0x1;
	s15 =	sadd.s32 s9, s8  }
0xc: {  	s8 =	sadd.s32 $0x64A00, s8;
	s9 =	smul.u32 $0x280, s0;
	s29 =	sshrl.u32 s12, $0x2  }
0xd: {  	s13 =	ssub.s32 s10, s11;
	s16 =	sadd.s32 s29, s2;
	s10 =	sor.u32 $0x1C03, s30  }
0xe: {  	s11 =	smul.u32 $0x50, s0;
	s31 =	smax.u32 s13, $0x1;
	s13 =	sadd.s32 $0x53200, s15  }
0xf: {  	s15 =	sadd.s32 $0x53480, s15;
	s16 =	sshrl.u32 s16, $0x3;
	[dreg:$0x4] =	wrdreg s31  }
.LBB2_1:
0x10: {  	p1 =	por $0x1, $0x1;
	s29 =	simm.s32 $0x0  }
.LBB2_2:
0x11: {  	s28 =	sor.u32 s5, s29  }
0x12: {  	[spmem:s16], [sflag:s10] =	dma.local [hbm:s7], $0x2800  }
0x13: {  	s29 =	smul.u32 $0x500, s28  }
0x14: {  	_ =	swait.ge [sflag:s17], $0x2800  }
0x15: {  	[sflag:s17] =	ssyncset.done $0x0;
	s29 =	sadd.s32 s29, s11  }
0x16: {  	[sflag:s17] =	ssyncadd.s32 $0xFFFFD800;
	s29 =	sshll.u32 s29, $0x4  }
0x17: {  	s31 =	simm.s32 $0x0;
	[bflag:$0x0] =	sbarrier.arrive $0xFFFF;
	s30 =	sadd.s32 s1, s29  }
0x18: {  	[tilespmem:s31], [sflag:$0x3] =	stream.linear.gather [hbm4b:s30+s31], $0x1400, $0x38;
	[tilespmem:$0x1E800] =	vst v63  }
0x19: {  	_ =	swait.ge [sflag:s17], $0x1400  }
0x1a: {  	[sflag:s17] =	ssyncset.done $0x0  }
0x1b: {  	[sflag:s17] =	ssyncadd.s32 $0xFFFFEC00  }
0x1c: {  	[tilespmem:s18], [sflag:$0x3] =	stream.linear.gather [hbm4b:s13+s31], $0x1400, $0x38;
	[tilespmem:$0x1E800] =	vst v63  }
0x1d: {  	_ =	swait.ge [sflag:s17], $0x1400  }
0x1e: {  	[sflag:s17] =	ssyncset.done $0x0  }
0x1f: {  	[sflag:s17] =	ssyncadd.s32 $0xFFFFEC00  }
0x20: {  	[tilespmem:s20], [sflag:$0x1] =	stream.indirect.gather [hbm4b:s6+s19], $0x80, s31, s19, $0xb8;
	[tilespmem:$0x1E800] =	vst v63  }
0x21: {  	s30 =	simm.s32 $0x80  }
0x22: {  	[tilespmem:s21], [sflag:$0x2] =	stream.indirect.gather [hbm4b:s6+s19], $0x80, s30, s19, $0xb8;
	[tilespmem:$0x1E800] =	vst v63  }
0x23: {  	_ =	swait.ge [sflag:s22], $0x4000  }
0x24: {  	[sflag:s22] =	ssyncset.done $0x0  }
0x25: {  	s30 =	simm.s32 $0x1400;
	[sflag:s22] =	ssyncadd.s32 $0xFFFFC000  }
0x26: {  	[spmem:s2] =	stream.indirect.scatter.add.f32 [tilespmem:s20], [sflag:$0x3], $0x80, s30, s19, $0xb8;
	[tilespmem:$0x1E800] =	vst v63  }
0x27: {  	_ =	swait.ge [sflag:s17], $0x4000  }
0x28: {  	[sflag:s17] =	ssyncset.done $0x0  }
0x29: {  	s30 =	simm.s32 $0x100;
	[sflag:s17] =	ssyncadd.s32 $0xFFFFC000  }
0x2a: {  	[tilespmem:s20], [sflag:$0x1] =	stream.indirect.gather [hbm4b:s6+s19], $0x80, s30, s19, $0xb8;
	[tilespmem:$0x1E800] =	vst v63  }
0x2b: {  	_ =	swait.ge [sflag:s23], $0x4000  }
0x2c: {  	[sflag:s23] =	ssyncset.done $0x0  }
0x2d: {  	s30 =	simm.s32 $0x1480;
	[sflag:s23] =	ssyncadd.s32 $0xFFFFC000  }
0x2e: {  	[spmem:s2] =	stream.indirect.scatter.add.f32 [tilespmem:s21], [sflag:$0x3], $0x80, s30, s19, $0xb8;
	[tilespmem:$0x1E800] =	vst v63  }
0x2f: {  	p0 =	por p1, p1;
	_ =	swait.ge [sflag:s17], $0x4000  }
0x30: {  	s31 =	simm.s32 $0x800;
	s30 =	simm.s32 $0x100;
	[sflag:s17] =	ssyncset.done $0x0  }
.LBB2_3:
0x31: {  	s0 =	sadd.s32 $0x80, s30  }
0x32: {  	[sflag:s17] =	ssyncadd.s32 $0xFFFFC000;
	s3 =	smov.u32 s31;
	s12 =	sadd.s32 $0x400, s31  }
0x33: {  	[tilespmem:s21], [sflag:$0x2] =	stream.indirect.gather [hbm4b:s6+s19], $0x80, s0, s19, $0xb8;
	[tilespmem:$0x1E800] =	vst v63  }
0x34: {  	p1 =	sne.s32 s31, $0x4800;
	_ =	swait.ge [sflag:s22], $0x4000  }
0x35: {  	[sflag:s22] =	ssyncset.done $0x0  }
0x36: {  	s0 =	sadd.s32 $0x1400, s30;
	[sflag:s22] =	ssyncadd.s32 $0xFFFFC000  }
0x37: {  	[spmem:s2] =	stream.indirect.scatter.add.f32 [tilespmem:s20], [sflag:$0x3], $0x80, s0, s19, $0xb8;
	[tilespmem:$0x1E800] =	vst v63  }
0x38: {  	_ =	swait.ge [sflag:s17], $0x4000  }
0x39: {  	[sflag:s17] =	ssyncset.done $0x0  }
0x3a: {  	s0 =	sadd.s32 $0x100, s30;
	[sflag:s17] =	ssyncadd.s32 $0xFFFFC000  }
0x3b: {  	[tilespmem:s20], [sflag:$0x1] =	stream.indirect.gather [hbm4b:s6+s19], $0x80, s0, s19, $0xb8;
	[tilespmem:$0x1E800] =	vst v63  }
0x3c: {  	_ =	swait.ge [sflag:s23], $0x4000  }
.Ltmp0:
0x3d: {  	[sflag:s23] =	ssyncset.done $0x0;
	(pc) =	sbr.rel @p1 .LBB2_3-.Ltmp0, $4  }
0x3e: {  	s0 =	sadd.s32 $0x1480, s30;
	[sflag:s23] =	ssyncadd.s32 $0xFFFFC000  }
0x3f: {  	[spmem:s2] =	stream.indirect.scatter.add.f32 [tilespmem:s21], [sflag:$0x3], $0x80, s0, s19, $0xb8;
	[tilespmem:$0x1E800] =	vst v63  }
0x40: {  	_ =	swait.ge [sflag:s17], $0x4000  }
0x41: {  	s31 =	smov.u32 s12;
	s30 =	sshra.s32 s3, $0x2;
	[sflag:s17] =	ssyncset.done $0x0  }
0x42: {  	s0 =	sadd.s32 $0x80, s30;
	[sflag:s17] =	ssyncadd.s32 $0xFFFFC000  }
0x43: {  	[tilespmem:s21], [sflag:$0x2] =	stream.indirect.gather [hbm4b:s6+s19], $0x80, s0, s19, $0xb8;
	[tilespmem:$0x1E800] =	vst v63  }
0x44: {  	_ =	swait.ge [sflag:s22], $0x4000  }
0x45: {  	[sflag:s22] =	ssyncset.done $0x0  }
0x46: {  	s12 =	sadd.s32 $0x1400, s30;
	[sflag:s22] =	ssyncadd.s32 $0xFFFFC000  }
0x47: {  	[spmem:s2] =	stream.indirect.scatter.add.f32 [tilespmem:s20], [sflag:$0x3], $0x80, s12, s19, $0xb8;
	[tilespmem:$0x1E800] =	vst v63  }
0x48: {  	_ =	swait.ge [sflag:s17], $0x4000  }
0x49: {  	[sflag:s17] =	ssyncset.done $0x0  }
0x4a: {  	s31 =	sadd.s32 $0x100, s30;
	[sflag:s17] =	ssyncadd.s32 $0xFFFFC000  }
0x4b: {  	[tilespmem:s20], [sflag:$0x1] =	stream.indirect.gather [hbm4b:s6+s19], $0x80, s31, s19, $0xb8;
	[tilespmem:$0x1E800] =	vst v63  }
0x4c: {  	_ =	swait.ge [sflag:s23], $0x4000  }
0x4d: {  	[sflag:s23] =	ssyncset.done $0x0  }
0x4e: {  	s3 =	sadd.s32 $0x1480, s30;
	[sflag:s23] =	ssyncadd.s32 $0xFFFFC000  }
0x4f: {  	[spmem:s2] =	stream.indirect.scatter.add.f32 [tilespmem:s21], [sflag:$0x3], $0x80, s3, s19, $0xb8;
	[tilespmem:$0x1E800] =	vst v63  }
0x50: {  	_ =	swait.ge [sflag:s17], $0x4000  }
0x51: {  	[sflag:s17] =	ssyncset.done $0x0  }
0x52: {  	[sflag:s17] =	ssyncadd.s32 $0xFFFFC000  }
0x53: {  	[tilespmem:s21], [sflag:$0x2] =	stream.indirect.gather [hbm4b:s6+s19], $0x80, s24, s19, $0xb8;
	[tilespmem:$0x1E800] =	vst v63  }
0x54: {  	_ =	swait.ge [sflag:s22], $0x4000  }
0x55: {  	[sflag:s22] =	ssyncset.done $0x0  }
0x56: {  	[sflag:s22] =	ssyncadd.s32 $0xFFFFC000  }
0x57: {  	[spmem:s2] =	stream.indirect.scatter.add.f32 [tilespmem:s20], [sflag:$0x3], $0x80, s25, s19, $0xb8;
	[tilespmem:$0x1E800] =	vst v63  }
0x58: {  	_ =	swait.ge [sflag:s17], $0x4000  }
0x59: {  	[sflag:s17] =	ssyncset.done $0x0  }
0x5a: {  	[sflag:s17] =	ssyncadd.s32 $0xFFFFC000  }
0x5b: {  	_ =	swait.ge [sflag:s23], $0x4000  }
0x5c: {  	[sflag:s23] =	ssyncset.done $0x0  }
0x5d: {  	[sflag:s23] =	ssyncadd.s32 $0xFFFFC000  }
0x5e: {  	[spmem:s2] =	stream.indirect.scatter.add.f32 [tilespmem:s21], [sflag:$0x3], $0x80, s26, s19, $0xb8;
	[tilespmem:$0x1E800] =	vst v63  }
0x5f: {  	_ =	swait.ge [sflag:s17], $0x4000  }
0x60: {  	[sflag:s17] =	ssyncset.done $0x0  }
0x61: {  	s12 =	sadd.s32 s14, s29;
	s3 =	simm.s32 $0x0;
	[sflag:s17] =	ssyncadd.s32 $0xFFFFC000  }
0x62: {  	[tilespmem:s3], [sflag:$0x3] =	stream.linear.gather [hbm4b:s12+s3], $0x1400, $0x38;
	[tilespmem:$0x1E800] =	vst v63  }
0x63: {  	_ =	swait.ge [sflag:s17], $0x1400  }
0x64: {  	[sflag:s17] =	ssyncset.done $0x0  }
0x65: {  	[sflag:s17] =	ssyncadd.s32 $0xFFFFEC00  }
0x66: {  	[tilespmem:s18], [sflag:$0x3] =	stream.linear.gather [hbm4b:s15+s3], $0x1400, $0x38;
	[tilespmem:$0x1E800] =	vst v63  }
0x67: {  	_ =	swait.ge [sflag:s17], $0x1400  }
0x68: {  	[sflag:s17] =	ssyncset.done $0x0  }
0x69: {  	[sflag:s17] =	ssyncadd.s32 $0xFFFFEC00  }
0x6a: {  	[tilespmem:s20], [sflag:$0x1] =	stream.indirect.gather [hbm4b:s6+s19], $0x80, s3, s19, $0xb8;
	[tilespmem:$0x1E800] =	vst v63  }
0x6b: {  	s31 =	simm.s32 $0x80  }
0x6c: {  	[tilespmem:s21], [sflag:$0x2] =	stream.indirect.gather [hbm4b:s6+s19], $0x80, s31, s19, $0xb8;
	[tilespmem:$0x1E800] =	vst v63  }
0x6d: {  	_ =	swait.ge [sflag:s22], $0x4000  }
0x6e: {  	[sflag:s22] =	ssyncset.done $0x0  }
0x6f: {  	s3 =	simm.s32 $0x1400;
	[sflag:s22] =	ssyncadd.s32 $0xFFFFC000  }
0x70: {  	[spmem:s2] =	stream.indirect.scatter.add.f32 [tilespmem:s20], [sflag:$0x3], $0x80, s3, s19, $0xb8;
	[tilespmem:$0x1E800] =	vst v63  }
0x71: {  	_ =	swait.ge [sflag:s17], $0x4000  }
0x72: {  	[sflag:s17] =	ssyncset.done $0x0  }
0x73: {  	s12 =	simm.s32 $0x100;
	[sflag:s17] =	ssyncadd.s32 $0xFFFFC000  }
0x74: {  	[tilespmem:s20], [sflag:$0x1] =	stream.indirect.gather [hbm4b:s6+s19], $0x80, s12, s19, $0xb8;
	[tilespmem:$0x1E800] =	vst v63  }
0x75: {  	_ =	swait.ge [sflag:s23], $0x4000  }
0x76: {  	[sflag:s23] =	ssyncset.done $0x0  }
0x77: {  	s31 =	simm.s32 $0x1480;
	[sflag:s23] =	ssyncadd.s32 $0xFFFFC000  }
0x78: {  	[spmem:s2] =	stream.indirect.scatter.add.f32 [tilespmem:s21], [sflag:$0x3], $0x80, s31, s19, $0xb8;
	[tilespmem:$0x1E800] =	vst v63  }
0x79: {  	_ =	swait.ge [sflag:s17], $0x4000  }
0x7a: {  	s30 =	simm.s32 $0x800;
	s29 =	simm.s32 $0x100;
	[sflag:s17] =	ssyncset.done $0x0  }
.LBB2_5:
0x7b: {  	s0 =	sadd.s32 $0x80, s29  }
0x7c: {  	[sflag:s17] =	ssyncadd.s32 $0xFFFFC000;
	s3 =	smov.u32 s30;
	s12 =	sadd.s32 $0x400, s30  }
0x7d: {  	[tilespmem:s21], [sflag:$0x2] =	stream.indirect.gather [hbm4b:s6+s19], $0x80, s0, s19, $0xb8;
	[tilespmem:$0x1E800] =	vst v63  }
0x7e: {  	p1 =	sne.s32 s30, $0x4800;
	_ =	swait.ge [sflag:s22], $0x4000  }
0x7f: {  	[sflag:s22] =	ssyncset.done $0x0  }
0x80: {  	s0 =	sadd.s32 $0x1400, s29;
	[sflag:s22] =	ssyncadd.s32 $0xFFFFC000  }
0x81: {  	[spmem:s2] =	stream.indirect.scatter.add.f32 [tilespmem:s20], [sflag:$0x3], $0x80, s0, s19, $0xb8;
	[tilespmem:$0x1E800] =	vst v63  }
0x82: {  	_ =	swait.ge [sflag:s17], $0x4000  }
0x83: {  	[sflag:s17] =	ssyncset.done $0x0  }
0x84: {  	s0 =	sadd.s32 $0x100, s29;
	[sflag:s17] =	ssyncadd.s32 $0xFFFFC000  }
0x85: {  	[tilespmem:s20], [sflag:$0x1] =	stream.indirect.gather [hbm4b:s6+s19], $0x80, s0, s19, $0xb8;
	[tilespmem:$0x1E800] =	vst v63  }
0x86: {  	_ =	swait.ge [sflag:s23], $0x4000  }
.Ltmp1:
0x87: {  	[sflag:s23] =	ssyncset.done $0x0;
	(pc) =	sbr.rel @p1 .LBB2_5-.Ltmp1, $4  }
0x88: {  	s0 =	sadd.s32 $0x1480, s29;
	[sflag:s23] =	ssyncadd.s32 $0xFFFFC000  }
0x89: {  	[spmem:s2] =	stream.indirect.scatter.add.f32 [tilespmem:s21], [sflag:$0x3], $0x80, s0, s19, $0xb8;
	[tilespmem:$0x1E800] =	vst v63  }
0x8a: {  	_ =	swait.ge [sflag:s17], $0x4000  }
0x8b: {  	s30 =	smov.u32 s12;
	s29 =	sshra.s32 s3, $0x2;
	[sflag:s17] =	ssyncset.done $0x0  }
0x8c: {  	s0 =	sadd.s32 $0x80, s29;
	[sflag:s17] =	ssyncadd.s32 $0xFFFFC000  }
0x8d: {  	[tilespmem:s21], [sflag:$0x2] =	stream.indirect.gather [hbm4b:s6+s19], $0x80, s0, s19, $0xb8;
	[tilespmem:$0x1E800] =	vst v63  }
0x8e: {  	_ =	swait.ge [sflag:s22], $0x4000  }
0x8f: {  	[sflag:s22] =	ssyncset.done $0x0  }
0x90: {  	s3 =	sadd.s32 $0x1400, s29;
	[sflag:s22] =	ssyncadd.s32 $0xFFFFC000  }
0x91: {  	[spmem:s2] =	stream.indirect.scatter.add.f32 [tilespmem:s20], [sflag:$0x3], $0x80, s3, s19, $0xb8;
	[tilespmem:$0x1E800] =	vst v63  }
0x92: {  	_ =	swait.ge [sflag:s17], $0x4000  }
0x93: {  	[sflag:s17] =	ssyncset.done $0x0  }
0x94: {  	s12 =	sadd.s32 $0x100, s29;
	[sflag:s17] =	ssyncadd.s32 $0xFFFFC000  }
0x95: {  	[tilespmem:s20], [sflag:$0x1] =	stream.indirect.gather [hbm4b:s6+s19], $0x80, s12, s19, $0xb8;
	[tilespmem:$0x1E800] =	vst v63  }
0x96: {  	_ =	swait.ge [sflag:s23], $0x4000  }
0x97: {  	[sflag:s23] =	ssyncset.done $0x0  }
0x98: {  	s30 =	sadd.s32 $0x1480, s29;
	[sflag:s23] =	ssyncadd.s32 $0xFFFFC000  }
0x99: {  	[spmem:s2] =	stream.indirect.scatter.add.f32 [tilespmem:s21], [sflag:$0x3], $0x80, s30, s19, $0xb8;
	[tilespmem:$0x1E800] =	vst v63  }
0x9a: {  	_ =	swait.ge [sflag:s17], $0x4000  }
0x9b: {  	[sflag:s17] =	ssyncset.done $0x0  }
0x9c: {  	[sflag:s17] =	ssyncadd.s32 $0xFFFFC000  }
0x9d: {  	[tilespmem:s21], [sflag:$0x2] =	stream.indirect.gather [hbm4b:s6+s19], $0x80, s24, s19, $0xb8;
	[tilespmem:$0x1E800] =	vst v63  }
0x9e: {  	_ =	swait.ge [sflag:s22], $0x4000  }
0x9f: {  	[sflag:s22] =	ssyncset.done $0x0  }
0xa0: {  	[sflag:s22] =	ssyncadd.s32 $0xFFFFC000  }
0xa1: {  	[spmem:s2] =	stream.indirect.scatter.add.f32 [tilespmem:s20], [sflag:$0x3], $0x80, s25, s19, $0xb8;
	[tilespmem:$0x1E800] =	vst v63  }
0xa2: {  	_ =	swait.ge [sflag:s17], $0x4000  }
0xa3: {  	[sflag:s17] =	ssyncset.done $0x0  }
0xa4: {  	s29 =	simm.s32 $0x2;
	[sflag:s17] =	ssyncadd.s32 $0xFFFFC000  }
0xa5: {  	_ =	swait.ge [sflag:s29], $0x4000  }
0xa6: {  	[sflag:s29] =	ssyncset.done $0x0  }
0xa7: {  	s31 =	smul.u32 $0x2800, s28;
	[sflag:s29] =	ssyncadd.s32 $0xFFFFC000  }
0xa8: {  	[spmem:s2] =	stream.indirect.scatter.add.f32 [tilespmem:s21], [sflag:$0x3], $0x80, s26, s19, $0xb8;
	[tilespmem:$0x1E800] =	vst v63  }
0xa9: {  	_ =	swait.ge [sflag:s17], $0x4000  }
0xaa: {  	s0 =	sadd.s32 s9, s31;
	[sflag:s17] =	ssyncset.done $0x0  }
0xab: {  	s0 =	sshll.u32 s0, $0x4;
	[sflag:s17] =	ssyncadd.s32 $0xFFFFC000  }
0xac: {  	s0 =	sadd.s32 s8, s0;
	[bflag:$0x0] =	sbarrier.arrive $0xFFFF  }
0xad: {  	[hbm:s0], [sflag:s10] =	dma.local [spmem:s16], $0x2800  }
.Ltmp2:
0xae: {  	_ =	swait.ge [sflag:s17], $0x2800;
	(pc) =	sbr.rel @p0 .LBB2_2-.Ltmp2, $4  }
0xaf: {  	[sflag:s17] =	ssyncset.done $0x0  }
0xb0: {  	[sflag:s17] =	ssyncadd.s32 $0xFFFFD800  }
0xb1: {  	[bflag:$0x0] =	sbarrier.arrive $0xFFFF  }
0xb2: {  	p1 =	por $0x0, $0x0  }
0xb3: {  	s4 =	sadd.s32 $0x1, s4;
	s0 =	rddreg [dreg:$0x4]  }
0xb4: {  	p0 =	sne.s32 s4, s0  }
.Ltmp3:
0xb5: {  	_ = 	snop;
	(pc) =	sbr.rel @p0 .LBB2_1-.Ltmp3, $1  }
0xb6: {  	_ =	sdelay $0x3  }
0xb7: {  	_ =	sfence.sel $0x180000  }
0xb8: {  	[bflag:$0x0] =	sbarrier.arrive $0xFFFF  }
0xb9: {  	_ =	strace $0x9000004D  }
0xba: {  	s0 =	stileid.u32;
	[bflag:$0x2] =	sbarrier.arrive $0xFFFF  }
0xbb: {  	p0 =	sne.s32 s0, $0x0;
	s0 =	rddreg [dreg:$0x3]  }
0xbc: {  	s0 =	sadd.s32 @!p0 $0x100000, s0  }
0xbd: {  	[sflag:s0] =	ssyncadd.tile.s32 @!p0 $0x1;
	_ =	shalt  }
.Lfunc_end2:
_tile_overlayer_lowered:
.L_overlay_start_2:
0xbe: {  	(tag) =	ssettag $0x2  }
0xbf: {  	s0 =	rddreg [dreg:$0x0];
	s2 =	stileid.u32  }
0xc0: {  	s1 =	rddreg [dreg:$0x1];
	p0 =	sne.s32 s2, $0x0  }
0xc1: {  	s3 =	rddreg [dreg:$0x2];
	[bflag:$0x3] =	sbarrier.arrive $0xFFFF;
	s2 =	simm.s32 @!p0 $0x1C03  }
0xc2: {  	[timem:s3], [sflag:s2] =	dma.local @!p0 [hbm:s0], s1  }
0xc3: {  	s0 =	simm.s32 @!p0 $0x3  }
0xc4: {  	_ =	swait.ge @!p0 [sflag:s0], s1  }
0xc5: {  	s1 =	ssub.s32 @!p0 $0x0, s1;
	[sflag:s0] =	ssyncset.done @!p0 $0x0  }
0xc6: {  	[sflag:s0] =	ssyncadd.s32 @!p0 s1  }
0xc7: {  	[bflag:$0x3] =	sbarrier.arrive $0xFFFF  }
0xc8: {  	_ =	shalt  }

// kernel: kernel.8.cloned.1.call-start
scs
__scs_entry_jumppad:
0x0: {  	(pc) =	sbr.rel $0x88, $3  }
0x1: {  	(tag) =	ssettag $0x0;
	lr =	simm.s32 $0x1  }
0x2: {  	[smem:$0x3F92] =	sst lr;
	_ =	strace $0xD0000000  }
0x3: {  	_ = 	snop  }
0x4: {  	_ = 	snop  }
0x5: {  	_ = 	snop  }
0x6: {  	_ = 	snop  }
0x7: {  	_ = 	snop  }
__scs_overlays_trampoline_lowered:
0x8: {  	[smem:$0x3FA1] =	sst s0  }
0x9: {  	[smem:$0x3FA2] =	sst s1  }
0xa: {  	[smem:$0x3FA3] =	sst s2  }
0xb: {  	[smem:$0x3FA4] =	sst s3  }
0xc: {  	[smem:$0x3FA5] =	sst s4  }
0xd: {  	[smem:$0x3FA6] =	sst s5  }
0xe: {  	[smem:$0x3FA7] =	sst s6  }
0xf: {  	[smem:$0x3FA8] =	sst s7  }
0x10: {  	[smem:$0x3FA9] =	sst s8  }
0x11: {  	[smem:$0x3FAA] =	sst s9;
	s0 =	simm.s32 @!p0 $0x0  }
0x12: {  	s1 =	sld [smem:$0x3F90];
	s0 =	simm.s32 @p0 $0x1  }
0x13: {  	[smem:$0x3FAB] =	sst s0;
	s0 =	simm.s32 @!p1 $0x0  }
0x14: {  	s2 =	sld [smem:$0x3F8F];
	s0 =	simm.s32 @p1 $0x1  }
0x15: {  	[smem:$0x3FAC] =	sst s0;
	s0 =	simm.s32 @!p2 $0x0  }
0x16: {  	s3 =	sld [smem:$0x3FDB];
	s0 =	simm.s32 @p2 $0x1  }
0x17: {  	s4 =	simm.s32 $0x1BF5;
	[smem:$0x3FAE] =	sst s0  }
0x18: {  	s0 =	sld [smem:$0x3F91];
	_ =	swait.ge [sflag:s4], $0x0  }
0x19: {  	s7 =	sld [smem:$0x3F92]  }
0x1a: {  	s8 =	sadd.s32 $0xFFFFE003, lr  }
0x1b: {  	s9 =	sadd.s32 $0xFFFFFEF7, lr;
	s5 =	simm.s32 $0xFFFFFFFF;
	p2 =	slt.u32 s8, $0xFFFFF086  }
0x1c: {  	p1 =	slt.u32 s9, $0xF7A;
	s5 =	simm.s32 @!p2 $0x0  }
0x1d: {  	s5 =	simm.s32 @p1 $0x1;
	p0 =	seq.s32 s7, s2  }
0x1e: {  	s7 =	smul.u32 @!p0 $0xF7A, s2;
	p2 =	seq.s32 @!p0 s5, $0x0  }
0x1f: {  	s9 =	smul.u32 $0xF7A, s1;
	s8 =	simm.s32 @!p0 $0x1BF5;
	p2 =	por !p2, p0  }
0x20: {  	[sflag:s8] =	ssyncset.s32 @!p0 $0xFFFFF086;
	s6 =	sadd.s32 @!p0 s3, s7;
	s7 =	simm.s32 @!p0 $0x108  }
0x21: {  	s3 =	sadd.s32 s3, s9;
	s6 =	sadd.s32 @!p0 $0x88, s6;
	s7 =	simm.s32 @p2 $0x1082  }
0x22: {  	[simem:s7], [sflag:s8] =	dma.local @!p0 [hbm:s6], $0xF7A  }
0x23: {  	s9 =	sor.u32 $0xD0000000, s2;
	s6 =	simm.s32 $0x108;
	_ =	swait.ge @!p0 [sflag:s8], $0x0  }
0x24: {  	s3 =	sadd.s32 $0x88, s3;
	s6 =	simm.s32 @!p1 $0x1082;
	[sflag:s4] =	ssyncset.s32 $0xFFFFF086  }
0x25: {  	[simem:s6], [sflag:s4] =	dma.local [hbm:s3], $0xF7A  }
0x26: {  	[smem:$0x3F92] =	sst s1;
	(tag) =	ssettag s2;
	_ =	strace s9  }
0x27: {  	s1 =	sld [smem:$0x3FA2]  }
0x28: {  	s2 =	sld [smem:$0x3FA3]  }
0x29: {  	s4 =	sld [smem:$0x3FA5]  }
0x2a: {  	p0 =	seq.s32 s5, $0x0;
	s5 =	sld [smem:$0x3FA6]  }
0x2b: {  	s6 =	sld [smem:$0x3FA7]  }
0x2c: {  	s7 =	sld [smem:$0x3FA8]  }
0x2d: {  	s3 =	simm.s32 $0x108;
	s8 =	sld [smem:$0x3FA9]  }
0x2e: {  	s3 =	simm.s32 @!p0 $0x1082;
	s9 =	sld [smem:$0x3FAA]  }
0x2f: {  	lr =	sadd.s32 s0, s3;
	s0 =	sld [smem:$0x3FA1]  }
0x30: {  	s3 =	sld [smem:$0x3FA4]  }
0x31: {  	[smem:$0x3FAD] =	sst s10  }
0x32: {  	s10 =	sld [smem:$0x3FAB];
	_ =	sdelay $0x3  }
0x33: {  	p0 =	seq.s32 s10, $0x1;
	s10 =	sld [smem:$0x3FAD];
	_ =	sdelay $0x3  }
0x34: {  	[smem:$0x3FAD] =	sst s10  }
0x35: {  	s10 =	sld [smem:$0x3FAC];
	_ =	sdelay $0x3  }
0x36: {  	p1 =	seq.s32 s10, $0x1;
	s10 =	sld [smem:$0x3FAD];
	_ =	sdelay $0x3  }
0x37: {  	[smem:$0x3FAD] =	sst s10  }
0x38: {  	s10 =	sld [smem:$0x3FAE]  }
0x39: {  	_ = 	snop;
	(pc) =	sbr.ind lr, $3  }
0x3a: {  	_ = 	snop  }
0x3b: {  	_ = 	snop  }
0x3c: {  	p2 =	seq.s32 s10, $0x1;
	s10 =	sld [smem:$0x3FAD]  }
0x3d: {  	_ =	shalt  }
0x3e: {  	_ =	shalt  }
0x3f: {  	_ =	shalt  }
0x40: {  	_ =	shalt  }
0x41: {  	_ =	shalt  }
0x42: {  	_ =	shalt  }
0x43: {  	_ =	shalt  }
0x44: {  	_ =	shalt  }
0x45: {  	_ =	shalt  }
0x46: {  	_ =	shalt  }
0x47: {  	_ =	shalt  }
0x48: {  	_ =	shalt  }
0x49: {  	_ =	shalt  }
0x4a: {  	_ =	shalt  }
0x4b: {  	_ =	shalt  }
0x4c: {  	_ =	shalt  }
0x4d: {  	_ =	shalt  }
0x4e: {  	_ =	shalt  }
0x4f: {  	_ =	shalt  }
0x50: {  	_ =	shalt  }
0x51: {  	_ =	shalt  }
0x52: {  	_ =	shalt  }
0x53: {  	_ =	shalt  }
0x54: {  	_ =	shalt  }
0x55: {  	_ =	shalt  }
0x56: {  	_ =	shalt  }
0x57: {  	_ =	shalt  }
0x58: {  	_ =	shalt  }
0x59: {  	_ =	shalt  }
0x5a: {  	_ =	shalt  }
0x5b: {  	_ =	shalt  }
0x5c: {  	_ =	shalt  }
0x5d: {  	_ =	shalt  }
0x5e: {  	_ =	shalt  }
0x5f: {  	_ =	shalt  }
0x60: {  	_ =	shalt  }
0x61: {  	_ =	shalt  }
0x62: {  	_ =	shalt  }
0x63: {  	_ =	shalt  }
0x64: {  	_ =	shalt  }
0x65: {  	_ =	shalt  }
0x66: {  	_ =	shalt  }
0x67: {  	_ =	shalt  }
0x68: {  	_ =	shalt  }
0x69: {  	_ =	shalt  }
0x6a: {  	_ =	shalt  }
0x6b: {  	_ =	shalt  }
0x6c: {  	_ =	shalt  }
0x6d: {  	_ =	shalt  }
0x6e: {  	_ =	shalt  }
0x6f: {  	_ =	shalt  }
0x70: {  	_ =	shalt  }
0x71: {  	_ =	shalt  }
0x72: {  	_ =	shalt  }
0x73: {  	_ =	shalt  }
0x74: {  	_ =	shalt  }
0x75: {  	_ =	shalt  }
0x76: {  	_ =	shalt  }
0x77: {  	_ =	shalt  }
0x78: {  	_ =	shalt  }
0x79: {  	_ =	shalt  }
0x7a: {  	_ =	shalt  }
0x7b: {  	_ =	shalt  }
0x7c: {  	_ =	shalt  }
0x7d: {  	_ =	shalt  }
0x7e: {  	_ =	shalt  }
0x7f: {  	_ =	shalt  }
0x80: {  	_ =	shalt  }
0x81: {  	_ =	shalt  }
0x82: {  	_ =	shalt  }
0x83: {  	_ =	shalt  }
0x84: {  	_ =	shalt  }
0x85: {  	_ =	shalt  }
0x86: {  	_ =	shalt  }
0x87: {  	_ =	shalt  }
.Lfunc_end0:
.L_simem_size_0:
called_computation_lowered:
.L_overlay_start_0:
0x88: {  	s2 =	sld [smem:$0x3FD9]  }
0x89: {  	s3 =	sld [smem:$0x3FFE];
	_ =	sdelay $0x1  }
0x8a: {  	s1 =	srdreg.scid  }
0x8b: {  	s0 =	sand.u32 $0x1, s1  }
0x8c: {  	s16 =	sshll.u32 s0, $0xA;
	s2 =	sadd.s32 s3, s2  }
0x8d: {  	s2 =	sadd.s32 s2, s16  }
0x8e: {  	[smem:$0x3FB9] =	sst s2  }
0x8f: {  	_ = 	snop  }
0x90: {  	(tm) =	ssettm $0x1  }
0x91: {  	s17 =	sld [smem:$0x3FFB];
	_ =	sdelay $0x3  }
0x92: {  	_ =	strace s17  }
0x93: {  	s2 =	sld [smem:$0x3FFC];
	_ =	sdelay $0x3  }
0x94: {  	_ =	strace s2  }
0x95: {  	s2 =	sld [smem:$0x3FFD];
	_ =	sdelay $0x3  }
0x96: {  	_ =	strace s2  }
0x97: {  	_ =	strace $0x8FFFFFFF  }
0x98: {  	s18 =	sld [smem:$0x3FDB];
	_ =	sdelay $0x1  }
0x99: {  	s19 =	simm.s32 $_scs_section_size  }
0x9a: {  	s4 =	simm.s32 $_size__tile_overlayer_lowered;
	s5 =	simm.s32 $_tile_overlayer_lowered  }
0x9b: {  	s22 =	simm.s32 $0x1BFF;
	s21 =	sshll.u32 s5, $0x1;
	s2 =	sadd.s32 s19, s18  }
0x9c: {  	s6 =	simm.s32 $0x0;
	s20 =	sshll.u32 s4, $0x1;
	s4 =	sadd.s32 s21, s2  }
0x9d: {  	[timem:s6], [sflag:s22] =	dma.local [hbm:s4], s20  }
0x9e: {  	_ =	swait.ge [sflag:s22], s20  }
0x9f: {  	s3 =	ssub.s32 $0x0, s20;
	[sflag:s22] =	ssyncset.done $0x0  }
0xa0: {  	[sflag:s22] =	ssyncadd.s32 s3;
	_ =	sdelay $0x1  }
0xa1: {  	s23 =	simm.s32 $0x1B8B  }
0xa2: {  	_ =	swait.ge [sflag:s23], $0x1  }
0xa3: {  	[sflag:s23] =	ssyncset.done $0x0  }
0xa4: {  	s25 =	simm.s32 $0x1B8E;
	s24 =	sld [smem:$0x3FFE];
	[sflag:s23] =	ssyncadd.s32 $0xFFFFFFFF  }
0xa5: {  	s26 =	simm.s32 $execute0_lowered;
	[smem:$0x3FD2] =	sst s25  }
0xa6: {  	s4 =	sshll.u32 s26, $0x1;
	_ =	strace $0x80000046;
	[dreg:$0x1] =	wrdreg $0xFFFFFFFF  }
0xa7: {  	s28 =	simm.s32 $_size_execute0_lowered;
	s2 =	sadd.s32 s2, s4;
	[dreg:$0x0] =	wrdreg $0x0  }
0xa8: {  	s4 =	sshll.u32 s28, $0x1;
	[dreg:$0x2] =	wrdreg s2  }
0xa9: {  	[dreg:$0x3] =	wrdreg s4  }
0xaa: {  	[dreg:$0x4] =	wrdreg $0xC0  }
0xab: {  	_ =	task [dreg:s6], $0x5FFFF  }
0xac: {  	[dreg:$0x1] =	wrdreg $0xFFFFFFFF  }
0xad: {  	[dreg:$0x0] =	wrdreg $0x60  }
0xae: {  	[dreg:$0x2] =	wrdreg s24  }
0xaf: {  	[dreg:$0x3] =	wrdreg $0xA8000  }
0xb0: {  	[dreg:$0x4] =	wrdreg $0x9  }
0xb1: {  	_ =	task.clear_ibuf [dreg:s6], $0x5FFFF;
	_ =	strace $0x90000046  }
0xb2: {  	s29 =	simm.s32 $0x9;
	_ =	strace $0x80000048  }
0xb3: {  	_ =	swait.ge [sflag:s29], $0x1  }
0xb4: {  	[sflag:s29] =	ssyncadd.s32 $0xFFFFFFFF  }
0xb5: {  	_ =	strace $0x90000048  }
0xb6: {  	_ =	sfence  }
0xb7: {  	s30 =	sld [smem:$0x0];
	_ =	sdelay $0x2  }
0xb8: {  	s31 =	sshll.u32 s1, $0xD;
	s1 =	sshrl.u32 s1, $0x2  }
0xb9: {  	s3 =	sand.u32 $0x4000, s31;
	s1 =	sadd.s32 s1, s30  }
0xba: {  	s0 =	sor.u32 s3, s0;
	s1 =	sshll.u32 s1, $0x11  }
0xbb: {  	s0 =	sor.u32 s1, s0  }
0xbc: {  	s0 =	sadd.s32 $0x8F2B, s0  }
0xbd: {  	[sflag:s0] =	ssyncadd.remote.s32 $0x1  }
0xbe: {  	_ =	sfence.sel $0xFFFF  }
0xbf: {  	[dreg:$0x0] =	wrdreg $0xFFFFFFFF;
	(pc) =	sbr.abs _section_cstart, $3  }
0xc0: {  	[dreg:$0x1] =	wrdreg $0xFFFFFFFF  }
0xc1: {  	_ =	task.clear_ibuf [dreg:s6], $0x2FFFF;
	_ =	strace $0x9FFFFFFF  }
0xc2: {  	(tm) =	ssettm $0x7FFFFFFF  }
0xc3: {  	_ =	shalt  }
tec
execute0_lowered:
.L_overlay_start_1:
0x0: {  	(tag) =	ssettag $0x1  }
0x1: {  	s6 =	rddreg [dreg:$0x0]  }
0x2: {  	s2 =	rddreg [dreg:$0x1]  }
0x3: {  	s0 =	rddreg [dreg:$0x2]  }
0x4: {  	s4 =	srdreg.scid;
	s1 =	stileid.u32;
	s3 =	simm.s32 $0x0  }
0x5: {  	s15 =	simm.s32 $0x1400;
	s16 =	simm.s32 $0x80;
	s17 =	simm.s32 $0x2800  }
0x6: {  	s18 =	simm.s32 $0x6800;
	s19 =	simm.s32 $0x1;
	s5 =	smul.u32 $0x50, s1  }
0x7: {  	s20 =	simm.s32 $0x2;
	s21 =	simm.s32 $0x1380;
	s10 =	smul.u32 $0x2800, s1  }
0x8: {  	s22 =	simm.s32 $0x2700;
	s23 =	simm.s32 $0x2780;
	s11 =	smul.u32 $0x500, s1  }
0x9: {  	s24 =	simm.s32 $0x0;
	s7 =	sand.u32 $0x1, s4;
	s28 =	smul.u32 $0x50000, s1  }
0xa: {  	[smem:$0x7FF] =	sst s3;
	s4 =	sadd.s32 $0x3200, s6;
	s8 =	smul.u32 $0x500, s7  }
0xb: {  	s30 =	sshll.u32 s1, $0x6;
	s9 =	smul.u32 $0x28000, s7;
	s29 =	ssub.s32 $0x2, s7  }
0xc: {  	_ =	strace $0x80000047;
	s13 =	sadd.s32 s11, s6;
	s7 =	sshrl.u32 s29, $0x1  }
0xd: {  	s8 =	sadd.s32 s8, s5;
	s5 =	sadd.s32 $0x62200, s6;
	s26 =	sadd.s32 s10, s9  }
0xe: {  	s9 =	sshrl.u32 s28, $0x2;
	s31 =	ssub.s32 s29, s7;
	s8 =	sshll.u32 s8, $0x4  }
0xf: {  	s10 =	sadd.s32 $0x53200, s13;
	s12 =	sadd.s32 s8, s6;
	s8 =	sadd.s32 s26, s6  }
0x10: {  	s14 =	sadd.s32 s9, s2;
	s6 =	sor.u32 $0x1C03, s30;
	s7 =	sadd.s32 $0x64A00, s8  }
0x11: {  	s8 =	smax.u32 s31, $0x1;
	s9 =	sadd.s32 $0x58200, s12;
	s11 =	sadd.s32 $0x58480, s12  }
0x12: {  	s12 =	sadd.s32 $0x53480, s13;
	s13 =	sshrl.u32 s14, $0x3;
	s14 =	simm.s32 $0x3  }
.LBB2_1:
0x13: {  	[spmem:s13], [sflag:s6] =	dma.local [hbm:s5], $0x2800  }
0x14: {  	_ =	swait.ge [sflag:s14], $0x2800  }
0x15: {  	[sflag:s14] =	ssyncset.done $0x0  }
0x16: {  	[sflag:s14] =	ssyncadd.s32 $0xFFFFD800  }
0x17: {  	[bflag:$0x0] =	sbarrier.arrive $0xFFFF  }
0x18: {  	[tilespmem:s3], [sflag:$0x3] =	stream.linear.gather [hbm4b:s9+s3], $0x1400, $0x38;
	[tilespmem:$0x1E800] =	vst v63  }
0x19: {  	_ =	swait.ge [sflag:s14], $0x1400  }
0x1a: {  	[sflag:s14] =	ssyncset.done $0x0  }
0x1b: {  	[sflag:s14] =	ssyncadd.s32 $0xFFFFEC00  }
0x1c: {  	[tilespmem:s15], [sflag:$0x3] =	stream.linear.gather [hbm4b:s10+s3], $0x1400, $0x38;
	[tilespmem:$0x1E800] =	vst v63  }
0x1d: {  	_ =	swait.ge [sflag:s14], $0x1400  }
0x1e: {  	[sflag:s14] =	ssyncset.done $0x0  }
0x1f: {  	[sflag:s14] =	ssyncadd.s32 $0xFFFFEC00  }
0x20: {  	[tilespmem:s17], [sflag:$0x1] =	stream.indirect.gather [hbm4b:s4+s16], $0x80, s3, s16, $0xb8;
	[tilespmem:$0x1E800] =	vst v63  }
0x21: {  	s25 =	simm.s32 $0x80  }
0x22: {  	[tilespmem:s18], [sflag:$0x2] =	stream.indirect.gather [hbm4b:s4+s16], $0x80, s25, s16, $0xb8;
	[tilespmem:$0x1E800] =	vst v63  }
0x23: {  	_ =	swait.ge [sflag:s19], $0x4000  }
0x24: {  	[sflag:s19] =	ssyncset.done $0x0  }
0x25: {  	s29 =	simm.s32 $0x1400;
	[sflag:s19] =	ssyncadd.s32 $0xFFFFC000  }
0x26: {  	[spmem:s2] =	stream.indirect.scatter.add.f32 [tilespmem:s17], [sflag:$0x3], $0x80, s29, s16, $0xb8;
	[tilespmem:$0x1E800] =	vst v63  }
0x27: {  	_ =	swait.ge [sflag:s14], $0x4000  }
0x28: {  	[sflag:s14] =	ssyncset.done $0x0  }
0x29: {  	s30 =	simm.s32 $0x100;
	[sflag:s14] =	ssyncadd.s32 $0xFFFFC000  }
0x2a: {  	[tilespmem:s17], [sflag:$0x1] =	stream.indirect.gather [hbm4b:s4+s16], $0x80, s30, s16, $0xb8;
	[tilespmem:$0x1E800] =	vst v63  }
0x2b: {  	_ =	swait.ge [sflag:s20], $0x4000  }
0x2c: {  	[sflag:s20] =	ssyncset.done $0x0  }
0x2d: {  	s31 =	simm.s32 $0x1480;
	[sflag:s20] =	ssyncadd.s32 $0xFFFFC000  }
0x2e: {  	[spmem:s2] =	stream.indirect.scatter.add.f32 [tilespmem:s18], [sflag:$0x3], $0x80, s31, s16, $0xb8;
	[tilespmem:$0x1E800] =	vst v63  }
0x2f: {  	_ =	swait.ge [sflag:s14], $0x4000  }
0x30: {  	s26 =	simm.s32 $0x800;
	s25 =	simm.s32 $0x100;
	[sflag:s14] =	ssyncset.done $0x0  }
.LBB2_2:
0x31: {  	s28 =	sadd.s32 $0x80, s25  }
0x32: {  	[sflag:s14] =	ssyncadd.s32 $0xFFFFC000;
	s29 =	smov.u32 s26;
	s30 =	sadd.s32 $0x400, s26  }
0x33: {  	[tilespmem:s18], [sflag:$0x2] =	stream.indirect.gather [hbm4b:s4+s16], $0x80, s28, s16, $0xb8;
	[tilespmem:$0x1E800] =	vst v63  }
0x34: {  	p0 =	sne.s32 s26, $0x4800;
	_ =	swait.ge [sflag:s19], $0x4000  }
0x35: {  	[sflag:s19] =	ssyncset.done $0x0  }
0x36: {  	s26 =	sadd.s32 $0x1400, s25;
	[sflag:s19] =	ssyncadd.s32 $0xFFFFC000  }
0x37: {  	[spmem:s2] =	stream.indirect.scatter.add.f32 [tilespmem:s17], [sflag:$0x3], $0x80, s26, s16, $0xb8;
	[tilespmem:$0x1E800] =	vst v63  }
0x38: {  	_ =	swait.ge [sflag:s14], $0x4000  }
0x39: {  	[sflag:s14] =	ssyncset.done $0x0  }
0x3a: {  	s26 =	sadd.s32 $0x100, s25;
	[sflag:s14] =	ssyncadd.s32 $0xFFFFC000  }
0x3b: {  	[tilespmem:s17], [sflag:$0x1] =	stream.indirect.gather [hbm4b:s4+s16], $0x80, s26, s16, $0xb8;
	[tilespmem:$0x1E800] =	vst v63  }
0x3c: {  	_ =	swait.ge [sflag:s20], $0x4000  }
.Ltmp0:
0x3d: {  	[sflag:s20] =	ssyncset.done $0x0;
	(pc) =	sbr.rel @p0 .LBB2_2-.Ltmp0, $4  }
0x3e: {  	s25 =	sadd.s32 $0x1480, s25;
	[sflag:s20] =	ssyncadd.s32 $0xFFFFC000  }
0x3f: {  	[spmem:s2] =	stream.indirect.scatter.add.f32 [tilespmem:s18], [sflag:$0x3], $0x80, s25, s16, $0xb8;
	[tilespmem:$0x1E800] =	vst v63  }
0x40: {  	_ =	swait.ge [sflag:s14], $0x4000  }
0x41: {  	s26 =	smov.u32 s30;
	s25 =	sshra.s32 s29, $0x2;
	[sflag:s14] =	ssyncset.done $0x0  }
0x42: {  	s26 =	sadd.s32 $0x80, s25;
	[sflag:s14] =	ssyncadd.s32 $0xFFFFC000  }
0x43: {  	[tilespmem:s18], [sflag:$0x2] =	stream.indirect.gather [hbm4b:s4+s16], $0x80, s26, s16, $0xb8;
	[tilespmem:$0x1E800] =	vst v63  }
0x44: {  	_ =	swait.ge [sflag:s19], $0x4000  }
0x45: {  	[sflag:s19] =	ssyncset.done $0x0  }
0x46: {  	s29 =	sadd.s32 $0x1400, s25;
	[sflag:s19] =	ssyncadd.s32 $0xFFFFC000  }
0x47: {  	[spmem:s2] =	stream.indirect.scatter.add.f32 [tilespmem:s17], [sflag:$0x3], $0x80, s29, s16, $0xb8;
	[tilespmem:$0x1E800] =	vst v63  }
0x48: {  	_ =	swait.ge [sflag:s14], $0x4000  }
0x49: {  	[sflag:s14] =	ssyncset.done $0x0  }
0x4a: {  	s30 =	sadd.s32 $0x100, s25;
	[sflag:s14] =	ssyncadd.s32 $0xFFFFC000  }
0x4b: {  	[tilespmem:s17], [sflag:$0x1] =	stream.indirect.gather [hbm4b:s4+s16], $0x80, s30, s16, $0xb8;
	[tilespmem:$0x1E800] =	vst v63  }
0x4c: {  	_ =	swait.ge [sflag:s20], $0x4000  }
0x4d: {  	[sflag:s20] =	ssyncset.done $0x0  }
0x4e: {  	s31 =	sadd.s32 $0x1480, s25;
	[sflag:s20] =	ssyncadd.s32 $0xFFFFC000  }
0x4f: {  	[spmem:s2] =	stream.indirect.scatter.add.f32 [tilespmem:s18], [sflag:$0x3], $0x80, s31, s16, $0xb8;
	[tilespmem:$0x1E800] =	vst v63  }
0x50: {  	_ =	swait.ge [sflag:s14], $0x4000  }
0x51: {  	[sflag:s14] =	ssyncset.done $0x0  }
0x52: {  	[sflag:s14] =	ssyncadd.s32 $0xFFFFC000  }
0x53: {  	[tilespmem:s18], [sflag:$0x2] =	stream.indirect.gather [hbm4b:s4+s16], $0x80, s21, s16, $0xb8;
	[tilespmem:$0x1E800] =	vst v63  }
0x54: {  	_ =	swait.ge [sflag:s19], $0x4000  }
0x55: {  	[sflag:s19] =	ssyncset.done $0x0  }
0x56: {  	[sflag:s19] =	ssyncadd.s32 $0xFFFFC000  }
0x57: {  	[spmem:s2] =	stream.indirect.scatter.add.f32 [tilespmem:s17], [sflag:$0x3], $0x80, s22, s16, $0xb8;
	[tilespmem:$0x1E800] =	vst v63  }
0x58: {  	_ =	swait.ge [sflag:s14], $0x4000  }
0x59: {  	[sflag:s14] =	ssyncset.done $0x0  }
0x5a: {  	[sflag:s14] =	ssyncadd.s32 $0xFFFFC000  }
0x5b: {  	_ =	swait.ge [sflag:s20], $0x4000  }
0x5c: {  	[sflag:s20] =	ssyncset.done $0x0  }
0x5d: {  	[sflag:s20] =	ssyncadd.s32 $0xFFFFC000  }
0x5e: {  	[spmem:s2] =	stream.indirect.scatter.add.f32 [tilespmem:s18], [sflag:$0x3], $0x80, s23, s16, $0xb8;
	[tilespmem:$0x1E800] =	vst v63  }
0x5f: {  	_ =	swait.ge [sflag:s14], $0x4000  }
0x60: {  	[sflag:s14] =	ssyncset.done $0x0  }
0x61: {  	s26 =	simm.s32 $0x0;
	[sflag:s14] =	ssyncadd.s32 $0xFFFFC000  }
0x62: {  	[tilespmem:s26], [sflag:$0x3] =	stream.linear.gather [hbm4b:s11+s26], $0x1400, $0x38;
	[tilespmem:$0x1E800] =	vst v63  }
0x63: {  	_ =	swait.ge [sflag:s14], $0x1400  }
0x64: {  	[sflag:s14] =	ssyncset.done $0x0  }
0x65: {  	[sflag:s14] =	ssyncadd.s32 $0xFFFFEC00  }
0x66: {  	[tilespmem:s15], [sflag:$0x3] =	stream.linear.gather [hbm4b:s12+s26], $0x1400, $0x38;
	[tilespmem:$0x1E800] =	vst v63  }
0x67: {  	_ =	swait.ge [sflag:s14], $0x1400  }
0x68: {  	[sflag:s14] =	ssyncset.done $0x0  }
0x69: {  	[sflag:s14] =	ssyncadd.s32 $0xFFFFEC00  }
0x6a: {  	[tilespmem:s17], [sflag:$0x1] =	stream.indirect.gather [hbm4b:s4+s16], $0x80, s26, s16, $0xb8;
	[tilespmem:$0x1E800] =	vst v63  }
0x6b: {  	s28 =	simm.s32 $0x80  }
0x6c: {  	[tilespmem:s18], [sflag:$0x2] =	stream.indirect.gather [hbm4b:s4+s16], $0x80, s28, s16, $0xb8;
	[tilespmem:$0x1E800] =	vst v63  }
0x6d: {  	_ =	swait.ge [sflag:s19], $0x4000  }
0x6e: {  	[sflag:s19] =	ssyncset.done $0x0  }
0x6f: {  	s29 =	simm.s32 $0x1400;
	[sflag:s19] =	ssyncadd.s32 $0xFFFFC000  }
0x70: {  	[spmem:s2] =	stream.indirect.scatter.add.f32 [tilespmem:s17], [sflag:$0x3], $0x80, s29, s16, $0xb8;
	[tilespmem:$0x1E800] =	vst v63  }
0x71: {  	_ =	swait.ge [sflag:s14], $0x4000  }
0x72: {  	[sflag:s14] =	ssyncset.done $0x0  }
0x73: {  	s30 =	simm.s32 $0x100;
	[sflag:s14] =	ssyncadd.s32 $0xFFFFC000  }
0x74: {  	[tilespmem:s17], [sflag:$0x1] =	stream.indirect.gather [hbm4b:s4+s16], $0x80, s30, s16, $0xb8;
	[tilespmem:$0x1E800] =	vst v63  }
0x75: {  	_ =	swait.ge [sflag:s20], $0x4000  }
0x76: {  	[sflag:s20] =	ssyncset.done $0x0  }
0x77: {  	s31 =	simm.s32 $0x1480;
	[sflag:s20] =	ssyncadd.s32 $0xFFFFC000  }
0x78: {  	[spmem:s2] =	stream.indirect.scatter.add.f32 [tilespmem:s18], [sflag:$0x3], $0x80, s31, s16, $0xb8;
	[tilespmem:$0x1E800] =	vst v63  }
0x79: {  	_ =	swait.ge [sflag:s14], $0x4000  }
0x7a: {  	s25 =	simm.s32 $0x100;
	s26 =	simm.s32 $0x800;
	[sflag:s14] =	ssyncset.done $0x0  }
.LBB2_4:
0x7b: {  	s28 =	sadd.s32 $0x80, s25  }
0x7c: {  	[sflag:s14] =	ssyncadd.s32 $0xFFFFC000;
	s29 =	smov.u32 s26;
	s30 =	sadd.s32 $0x400, s26  }
0x7d: {  	[tilespmem:s18], [sflag:$0x2] =	stream.indirect.gather [hbm4b:s4+s16], $0x80, s28, s16, $0xb8;
	[tilespmem:$0x1E800] =	vst v63  }
0x7e: {  	p0 =	sne.s32 s26, $0x4800;
	_ =	swait.ge [sflag:s19], $0x4000  }
0x7f: {  	[sflag:s19] =	ssyncset.done $0x0  }
0x80: {  	s26 =	sadd.s32 $0x1400, s25;
	[sflag:s19] =	ssyncadd.s32 $0xFFFFC000  }
0x81: {  	[spmem:s2] =	stream.indirect.scatter.add.f32 [tilespmem:s17], [sflag:$0x3], $0x80, s26, s16, $0xb8;
	[tilespmem:$0x1E800] =	vst v63  }
0x82: {  	_ =	swait.ge [sflag:s14], $0x4000  }
0x83: {  	[sflag:s14] =	ssyncset.done $0x0  }
0x84: {  	s26 =	sadd.s32 $0x100, s25;
	[sflag:s14] =	ssyncadd.s32 $0xFFFFC000  }
0x85: {  	[tilespmem:s17], [sflag:$0x1] =	stream.indirect.gather [hbm4b:s4+s16], $0x80, s26, s16, $0xb8;
	[tilespmem:$0x1E800] =	vst v63  }
0x86: {  	_ =	swait.ge [sflag:s20], $0x4000  }
.Ltmp1:
0x87: {  	[sflag:s20] =	ssyncset.done $0x0;
	(pc) =	sbr.rel @p0 .LBB2_4-.Ltmp1, $4  }
0x88: {  	s25 =	sadd.s32 $0x1480, s25;
	[sflag:s20] =	ssyncadd.s32 $0xFFFFC000  }
0x89: {  	[spmem:s2] =	stream.indirect.scatter.add.f32 [tilespmem:s18], [sflag:$0x3], $0x80, s25, s16, $0xb8;
	[tilespmem:$0x1E800] =	vst v63  }
0x8a: {  	_ =	swait.ge [sflag:s14], $0x4000  }
0x8b: {  	s26 =	smov.u32 s30;
	s25 =	sshra.s32 s29, $0x2;
	[sflag:s14] =	ssyncset.done $0x0  }
0x8c: {  	s26 =	sadd.s32 $0x80, s25;
	[sflag:s14] =	ssyncadd.s32 $0xFFFFC000  }
0x8d: {  	[tilespmem:s18], [sflag:$0x2] =	stream.indirect.gather [hbm4b:s4+s16], $0x80, s26, s16, $0xb8;
	[tilespmem:$0x1E800] =	vst v63  }
0x8e: {  	_ =	swait.ge [sflag:s19], $0x4000  }
0x8f: {  	[sflag:s19] =	ssyncset.done $0x0  }
0x90: {  	s29 =	sadd.s32 $0x1400, s25;
	[sflag:s19] =	ssyncadd.s32 $0xFFFFC000  }
0x91: {  	[spmem:s2] =	stream.indirect.scatter.add.f32 [tilespmem:s17], [sflag:$0x3], $0x80, s29, s16, $0xb8;
	[tilespmem:$0x1E800] =	vst v63  }
0x92: {  	_ =	swait.ge [sflag:s14], $0x4000  }
0x93: {  	[sflag:s14] =	ssyncset.done $0x0  }
0x94: {  	s30 =	sadd.s32 $0x100, s25;
	[sflag:s14] =	ssyncadd.s32 $0xFFFFC000  }
0x95: {  	[tilespmem:s17], [sflag:$0x1] =	stream.indirect.gather [hbm4b:s4+s16], $0x80, s30, s16, $0xb8;
	[tilespmem:$0x1E800] =	vst v63  }
0x96: {  	_ =	swait.ge [sflag:s20], $0x4000  }
0x97: {  	[sflag:s20] =	ssyncset.done $0x0  }
0x98: {  	s31 =	sadd.s32 $0x1480, s25;
	[sflag:s20] =	ssyncadd.s32 $0xFFFFC000  }
0x99: {  	[spmem:s2] =	stream.indirect.scatter.add.f32 [tilespmem:s18], [sflag:$0x3], $0x80, s31, s16, $0xb8;
	[tilespmem:$0x1E800] =	vst v63  }
0x9a: {  	_ =	swait.ge [sflag:s14], $0x4000  }
0x9b: {  	[sflag:s14] =	ssyncset.done $0x0  }
0x9c: {  	[sflag:s14] =	ssyncadd.s32 $0xFFFFC000  }
0x9d: {  	[tilespmem:s18], [sflag:$0x2] =	stream.indirect.gather [hbm4b:s4+s16], $0x80, s21, s16, $0xb8;
	[tilespmem:$0x1E800] =	vst v63  }
0x9e: {  	_ =	swait.ge [sflag:s19], $0x4000  }
0x9f: {  	[sflag:s19] =	ssyncset.done $0x0  }
0xa0: {  	[sflag:s19] =	ssyncadd.s32 $0xFFFFC000  }
0xa1: {  	[spmem:s2] =	stream.indirect.scatter.add.f32 [tilespmem:s17], [sflag:$0x3], $0x80, s22, s16, $0xb8;
	[tilespmem:$0x1E800] =	vst v63  }
0xa2: {  	_ =	swait.ge [sflag:s14], $0x4000  }
0xa3: {  	[sflag:s14] =	ssyncset.done $0x0  }
0xa4: {  	[sflag:s14] =	ssyncadd.s32 $0xFFFFC000  }
0xa5: {  	_ =	swait.ge [sflag:s20], $0x4000  }
0xa6: {  	[sflag:s20] =	ssyncset.done $0x0  }
0xa7: {  	[sflag:s20] =	ssyncadd.s32 $0xFFFFC000  }
0xa8: {  	[spmem:s2] =	stream.indirect.scatter.add.f32 [tilespmem:s18], [sflag:$0x3], $0x80, s23, s16, $0xb8;
	[tilespmem:$0x1E800] =	vst v63  }
0xa9: {  	_ =	swait.ge [sflag:s14], $0x4000  }
0xaa: {  	[sflag:s14] =	ssyncset.done $0x0  }
0xab: {  	s24 =	sadd.s32 $0x1, s24;
	[sflag:s14] =	ssyncadd.s32 $0xFFFFC000  }
0xac: {  	p0 =	sne.s32 s24, s8;
	[bflag:$0x0] =	sbarrier.arrive $0xFFFF  }
0xad: {  	[hbm:s7], [sflag:s6] =	dma.local [spmem:s13], $0x2800  }
.Ltmp2:
0xae: {  	_ =	swait.ge [sflag:s14], $0x2800;
	(pc) =	sbr.rel @p0 .LBB2_1-.Ltmp2, $3  }
0xaf: {  	[sflag:s14] =	ssyncset.done $0x0  }
0xb0: {  	[sflag:s14] =	ssyncadd.s32 $0xFFFFD800  }
0xb1: {  	[bflag:$0x0] =	sbarrier.arrive $0xFFFF;
	_ =	sdelay $0x1  }
0xb2: {  	_ =	sfence.sel $0x180000  }
0xb3: {  	[bflag:$0x0] =	sbarrier.arrive $0xFFFF  }
0xb4: {  	p0 =	sne.s32 s1, $0x0;
	_ =	strace $0x90000047  }
0xb5: {  	s0 =	sadd.s32 @!p0 $0x100000, s0;
	[bflag:$0x2] =	sbarrier.arrive $0xFFFF  }
0xb6: {  	[sflag:s0] =	ssyncadd.tile.s32 @!p0 $0x1;
	_ =	shalt  }
.Lfunc_end2:
_tile_overlayer_lowered:
.L_overlay_start_2:
0xb7: {  	(tag) =	ssettag $0x2  }
0xb8: {  	s0 =	rddreg [dreg:$0x0];
	s2 =	stileid.u32  }
0xb9: {  	s1 =	rddreg [dreg:$0x1];
	p0 =	sne.s32 s2, $0x0  }
0xba: {  	s3 =	rddreg [dreg:$0x2];
	[bflag:$0x3] =	sbarrier.arrive $0xFFFF;
	s2 =	simm.s32 @!p0 $0x1C03  }
0xbb: {  	[timem:s3], [sflag:s2] =	dma.local @!p0 [hbm:s0], s1  }
0xbc: {  	s0 =	simm.s32 @!p0 $0x3  }
0xbd: {  	_ =	swait.ge @!p0 [sflag:s0], s1  }
0xbe: {  	s1 =	ssub.s32 @!p0 $0x0, s1;
	[sflag:s0] =	ssyncset.done @!p0 $0x0  }
0xbf: {  	[sflag:s0] =	ssyncadd.s32 @!p0 s1  }
0xc0: {  	[bflag:$0x3] =	sbarrier.arrive $0xFFFF  }
0xc1: {  	_ =	shalt  }

</sc_bundles>
